<compile_context>
chip_gen: v7x
topology: tpu7x:2x2x1
jax: 0.10.2.dev20260603
libtpu: 0.0.44.dev20260713+nightly
codegen_flags: <defaults>
</compile_context>

<pallas_src>
import numpy as np

import jax
import jax.numpy as jnp
from jax import lax
from jax.experimental import pallas as pl
from jax.experimental.pallas import tpu as pltpu
from jax.experimental.pallas import tpu_sc as plsc

E = 16
K = 8
D = 2048
T = 8192
TB = 1024
L = 16
NC = 2
NS = 16
SUP = 256
CH = SUP // L

_LANE = np.arange(L)


def _noisy_body(w_ref, b_ref, eps_ref, x_ref, out_ref):
    prod = lax.dot_general(
        w_ref[...], x_ref[...], (((1,), (1,)), ((), ())),
        preferred_element_type=jnp.float32)
    logits = prod[:E, :] + b_ref[:E, :]
    noise_logits = prod[E:, :] + b_ref[E:, :]
    out_ref[...] = logits + eps_ref[...] * jax.nn.softplus(noise_logits)


def _noisy_call(x, Wc, bc, eps, interpret=False):
    return pl.pallas_call(
        _noisy_body,
        grid=(T // TB,),
        in_specs=[
            pl.BlockSpec((2 * E, D), lambda i: (0, 0)),
            pl.BlockSpec((2 * E, 1), lambda i: (0, 0)),
            pl.BlockSpec((E, TB), lambda i: (0, i)),
            pl.BlockSpec((TB, D), lambda i: (i, 0)),
        ],
        out_specs=pl.BlockSpec((E, TB), lambda i: (0, i)),
        out_shape=jax.ShapeDtypeStruct((E, T), jnp.float32),
        interpret=interpret,
    )(Wc, bc, eps, x)


def _lex_gt(va, ia, vb, ib):
    return (va > vb) | ((va == vb) & (ia < ib))


def _substage(v, i, iot, j, flip):
    perm = iot ^ j
    pv = jnp.take_along_axis(v, perm, axis=0)
    pi = jnp.take_along_axis(i, perm, axis=0)
    rank_first = _lex_gt(v, i, pv, pi)
    take_self = rank_first ^ flip
    return jnp.where(take_self, v, pv), jnp.where(take_self, i, pi)


def _bitonic_sort(v, i, iot, descending):
    for k in (2, 4, 8, 16):
        j = k // 2
        while j >= 1:
            upper = (iot & j) != 0
            if k == 16:
                flip = upper if descending else (iot & j) == 0
            else:
                asc_blocks = ((iot & k) != 0) if descending else ((iot & k) == 0)
                flip = upper ^ asc_blocks
            v, i = _substage(v, i, iot, j, flip)
            j //= 2
    return v, i


def _bitonic_merge_desc(v, i, iot):
    for j in (8, 4, 2, 1):
        v, i = _substage(v, i, iot, j, (iot & j) != 0)
    return v, i


def _lane_max(v, iot):
    for sh in (1, 2, 4, 8):
        v = jnp.maximum(v, jnp.take_along_axis(v, iot ^ sh, axis=0))
    return v[0]


T2 = T // 2


def _sc_topk_body(noisy_hbm, router_hbm, idx_hbm, row_v, out_v, idx_v, vals_v):
    cid = lax.axis_index("c")
    sid = lax.axis_index("s")

    @pl.when(sid < E // NC)
    def _():
        e = cid * (E // NC) + sid
        pltpu.sync_copy(noisy_hbm.at[e], row_v)
        iot = lax.iota(jnp.int32, L)
        neg = jnp.float32(-jnp.inf)

        vals_v[...] = jnp.full((L,), neg, jnp.float32)
        idx_v[...] = jnp.zeros((L,), jnp.int32)

        def do_merge(args):
            _, cb = args
            c = row_v[pl.ds(cb * L, L)]
            ci = cb * L + iot
            av, ai = _bitonic_sort(c, ci, iot, descending=False)
            vals = vals_v[...]
            idxs = idx_v[...]
            keep = _lex_gt(vals, idxs, av, ai)
            hv = jnp.where(keep, vals, av)
            hi = jnp.where(keep, idxs, ai)
            nv, ni = _bitonic_merge_desc(hv, hi, iot)
            vals_v[...] = nv
            idx_v[...] = ni
            return nv[K - 1]

        def skip(args):
            return args[0]

        def chunk_step(s, t, kth):
            cb = s * CH + t
            c = row_v[pl.ds(cb * L, L)]
            cmax = _lane_max(c, iot)
            return lax.cond(cmax > kth, do_merge, skip, (kth, cb))

        def sup_step(s, kth):
            m = row_v[pl.ds(s * SUP, L)]
            for t in range(1, CH):
                m = jnp.maximum(m, row_v[pl.ds(s * SUP + t * L, L)])
            smax = _lane_max(m, iot)

            def hit(args):
                return lax.fori_loop(
                    0, CH, lambda t, kk: chunk_step(args[1], t, kk), args[0])

            return lax.cond(smax > kth, hit, skip, (kth, s))

        lax.fori_loop(0, T // SUP, sup_step, neg)
        vals = vals_v[...]
        idxs = idx_v[...]

        topmask = iot < K
        ex = jnp.where(topmask, jnp.exp(vals - vals[0]), jnp.float32(0.0))
        s = ex
        for sh in (1, 2, 4, 8):
            s = s + jnp.take_along_axis(s, iot ^ sh, axis=0)
        p = ex / s

        def zstep(i, carry):
            for u in range(8):
                out_v[pl.ds(i * 8 * L + u * L, L)] = jnp.zeros((L,), jnp.float32)
            return carry

        lax.fori_loop(0, T // (8 * L), zstep, 0)

        for k in range(K):
            tk = idxs[k]
            base = (tk >> 4) << 4
            ln = tk & (L - 1)
            vec = out_v[pl.ds(base, L)]
            out_v[pl.ds(base, L)] = jnp.where(iot == ln, p[k], vec)

        pltpu.sync_copy(out_v, router_hbm.at[e])
        pltpu.sync_copy(idx_v, idx_hbm.at[e])


def _sc_topk_call(noisy, interpret=False):
    mesh = plsc.VectorSubcoreMesh(
        core_axis_name="c", subcore_axis_name="s",
        num_cores=NC, num_subcores=NS)
    fn = pl.kernel(
        _sc_topk_body,
        out_type=[
            jax.ShapeDtypeStruct((E, T), jnp.float32),
            jax.ShapeDtypeStruct((E, L), jnp.int32),
        ],
        mesh=mesh,
        scratch_types=[
            pltpu.VMEM((T,), jnp.float32),
            pltpu.VMEM((T,), jnp.float32),
            pltpu.VMEM((L,), jnp.int32),
            pltpu.VMEM((L,), jnp.float32),
        ],
        interpret=interpret,
    )
    return fn(noisy)


def kernel(mh_output, W_route, b_route, W_noise, b_noise, eps):
    x = mh_output.reshape(T, D)
    Wc = jnp.concatenate([W_route, W_noise], axis=0)
    bc = jnp.concatenate([b_route, b_noise])[:, None]
    noisy = _noisy_call(x, Wc, bc, eps)
    router, idx16 = _sc_topk_call(noisy)
    return router, idx16[:, :K]

# --- scband reference (transcript-rebuilt; emitter-appended) ---
"""Pipeline reference for scband-expert-choice-token-noisy-topk-router-9517647528391 (READ-ONLY COPY).

The authoritative reference and input builder live on the scoring server;
editing this copy changes nothing except your own understanding.
"""

import jax, jax.numpy as jnp
import numpy as np

N_EMBED = 2048
NUM_EXPERTS = 16
TOP_K = 8
B = 2
S = 4096


def setup_inputs(seed: int = 0) -> dict:
    key = jax.random.key(seed)
    k1, k2, k3, k4, k5, k6 = jax.random.split(key, 6)
    mh_output = jax.random.normal(k1, (B, S, N_EMBED), dtype=jnp.float32)
    lim = 1.0 / np.sqrt(N_EMBED)
    W_route = jax.random.uniform(k2, (NUM_EXPERTS, N_EMBED), minval=-lim, maxval=lim, dtype=jnp.float32)
    b_route = jax.random.uniform(k3, (NUM_EXPERTS,), minval=-lim, maxval=lim, dtype=jnp.float32)
    W_noise = jax.random.uniform(k4, (NUM_EXPERTS, N_EMBED), minval=-lim, maxval=lim, dtype=jnp.float32)
    b_noise = jax.random.uniform(k5, (NUM_EXPERTS,), minval=-lim, maxval=lim, dtype=jnp.float32)
    # fixed gaussian noise sample standing in for torch.randn_like(logits)
    eps = jax.random.normal(k6, (NUM_EXPERTS, B * S), dtype=jnp.float32)
    return {"mh_output": mh_output, "W_route": W_route, "b_route": b_route,
            "W_noise": W_noise, "b_noise": b_noise, "eps": eps}


def reference(mh_output, W_route, b_route, W_noise, b_noise, eps):
    x = mh_output.reshape(-1, N_EMBED)                      # [T, d]
    logits = (x @ W_route.T + b_route).T                    # [E, T]
    noise_logits = (x @ W_noise.T + b_noise).T              # [E, T]
    noise = eps * jax.nn.softplus(noise_logits)
    noisy_logits = logits + noise                           # [E, T]
    top_k_logits, indices = jax.lax.top_k(noisy_logits, TOP_K)  # per-expert top-k tokens
    sparse = jnp.full_like(noisy_logits, -jnp.inf)
    rows = jnp.arange(noisy_logits.shape[0])[:, None]
    sparse = sparse.at[rows, indices].set(top_k_logits)
    router_output = jax.nn.softmax(sparse, axis=-1)
    return (router_output, indices)

if __name__ == "__main__":
    import jax
    _d = setup_inputs()
    print(jax.jit(kernel)(*tuple(_d.values())))

</pallas_src>

<mosaic_0001>
#map = affine_map<(d0, d1) -> (0, 0)>
module attributes {stable_mosaic.version = 14 : i64} {
  func.func @_sc_topk_body(%arg0: i32, %arg1: i32, %arg2: memref<16x8192xf32, #tpu.memory_space<hbm>>, %arg3: memref<16x8192xf32, #tpu.memory_space<hbm>>, %arg4: memref<16x16xi32, #tpu.memory_space<hbm>>, %arg5: memref<8192xf32, #tpu.memory_space<vmem>>, %arg6: memref<8192xf32, #tpu.memory_space<vmem>>, %arg7: memref<16xi32, #tpu.memory_space<vmem>>, %arg8: memref<16xf32, #tpu.memory_space<vmem>>) attributes {dimension_semantics = [#tpu.dimension_semantics<core_parallel>, #tpu.dimension_semantics<subcore_parallel>], iteration_bounds = array<i64: 2, 16>, scalar_prefetch = 0 : i64, scratch_operands = 4 : i64, tpu.core_type = #tpu.core_type<sc_vector_subcore>, window_params = [{transform_indices = #map}, {transform_indices = #map}, {transform_indices = #map}]} {
    %lt3A = arith.constant 8 : i32
    %lt3A_0 = arith.cmpi slt, %arg1, %lt3A : i32
    %convert_element_type3A = arith.extui %lt3A_0 : i1 to i32
    %cond3A = arith.constant 0 : i32
    %cond3A_1 = arith.cmpi ne, %convert_element_type3A, %cond3A : i32
    scf.if %cond3A_1 {
      %mul3A = arith.constant 8 : i32
      %mul3A_2 = arith.muli %arg0, %mul3A : i32
      %add3A = arith.addi %mul3A_2, %arg1 : i32
      "tpu.region"() ({
        %run_scoped3A = tpu.sem_alloc : memref<!tpu.dma_semaphore, #tpu.memory_space<semaphore_mem>>
        %dma_start3A = arith.constant 0 : i32
        %dma_start3A_252 = tpu.memref_slice %arg2[%add3A, %dma_start3A] : memref<16x8192xf32, #tpu.memory_space<hbm>> -> memref<1x8192xf32, #tpu.memory_space<hbm>>
        %dma_start3A_253 = tpu.memref_squeeze %dma_start3A_252 : memref<1x8192xf32, #tpu.memory_space<hbm>> -> memref<8192xf32, #tpu.memory_space<hbm>>
        %dma_start3A_254 = arith.constant 0 : i32
        %dma_start3A_255 = tpu.memref_slice %arg2[%add3A, %dma_start3A_254] : memref<16x8192xf32, #tpu.memory_space<hbm>> -> memref<1x8192xf32, #tpu.memory_space<hbm>>
        %dma_start3A_256 = tpu.memref_squeeze %dma_start3A_255 : memref<1x8192xf32, #tpu.memory_space<hbm>> -> memref<8192xf32, #tpu.memory_space<hbm>>
        tpu.enqueue_dma source(%dma_start3A_256 : memref<8192xf32, #tpu.memory_space<hbm>>) target(%arg5 : memref<8192xf32, #tpu.memory_space<vmem>>) target_semaphore(%run_scoped3A : memref<!tpu.dma_semaphore, #tpu.memory_space<semaphore_mem>>)
        %dma_wait3A = arith.constant 0 : i32
        %dma_wait3A_257 = tpu.memref_slice %arg2[%add3A, %dma_wait3A] : memref<16x8192xf32, #tpu.memory_space<hbm>> -> memref<1x8192xf32, #tpu.memory_space<hbm>>
        %dma_wait3A_258 = tpu.memref_squeeze %dma_wait3A_257 : memref<1x8192xf32, #tpu.memory_space<hbm>> -> memref<8192xf32, #tpu.memory_space<hbm>>
        %dma_wait3A_259 = arith.constant 0 : i32
        %dma_wait3A_260 = tpu.memref_slice %arg2[%add3A, %dma_wait3A_259] : memref<16x8192xf32, #tpu.memory_space<hbm>> -> memref<1x8192xf32, #tpu.memory_space<hbm>>
        %dma_wait3A_261 = tpu.memref_squeeze %dma_wait3A_260 : memref<1x8192xf32, #tpu.memory_space<hbm>> -> memref<8192xf32, #tpu.memory_space<hbm>>
        tpu.wait_dma2 semaphore(%run_scoped3A : memref<!tpu.dma_semaphore, #tpu.memory_space<semaphore_mem>>) src(%dma_wait3A_261 : memref<8192xf32, #tpu.memory_space<hbm>>) dst(%arg5 : memref<8192xf32, #tpu.memory_space<vmem>>)
        tpu.yield
      }) : () -> ()
      %iota3A = tpu.iota {dimensions = array<i32: 0>} : vector<16xi32>
      %broadcast_in_dim3A = arith.constant 0xFF800000 : f32
      %broadcast_in_dim3A_3 = vector.broadcast %broadcast_in_dim3A : f32 to vector<16xf32>
      %swap3A = arith.constant 0 : index
      %swap3A_4 = tpu.vector_load %arg8[%swap3A] {strides = array<i32>} : memref<16xf32, #tpu.memory_space<vmem>>, vector<16xf32>,
      %swap3A_5 = vector.shape_cast %swap3A_4 : vector<16xf32> to vector<16xf32>
      %swap3A_6 = vector.shape_cast %broadcast_in_dim3A_3 : vector<16xf32> to vector<16xf32>
      tpu.vector_store %arg8[%swap3A], %swap3A_6 {strides = array<i32>} : memref<16xf32, #tpu.memory_space<vmem>>, vector<16xf32>,
      %broadcast_in_dim3A_7 = arith.constant 0 : i32
      %broadcast_in_dim3A_8 = vector.broadcast %broadcast_in_dim3A_7 : i32 to vector<16xi32>
      %swap3A_9 = arith.constant 0 : index
      %swap3A_10 = tpu.vector_load %arg7[%swap3A_9] {strides = array<i32>} : memref<16xi32, #tpu.memory_space<vmem>>, vector<16xi32>,
      %swap3A_11 = vector.shape_cast %swap3A_10 : vector<16xi32> to vector<16xi32>
      %swap3A_12 = vector.shape_cast %broadcast_in_dim3A_8 : vector<16xi32> to vector<16xi32>
      tpu.vector_store %arg7[%swap3A_9], %swap3A_12 {strides = array<i32>} : memref<16xi32, #tpu.memory_space<vmem>>, vector<16xi32>,
      %scan3A = arith.constant 0xFF800000 : f32
      %scan3A_13 = arith.constant 0 : i32
      %scan3A_14 = arith.constant 32 : i32
      %scan3A_15 = arith.addi %scan3A_13, %scan3A_14 : i32
      %scan3A_16 = arith.constant 1 : i32
      %scan3A_17 = scf.for %scan3A_252 = %scan3A_13 to %scan3A_15 step %scan3A_16 iter_args(%scan3A_253 = %scan3A) -> (f32)  : i32 {
        %mul3A_254 = arith.constant 256 : i32
        %mul3A_255 = arith.muli %scan3A_252, %mul3A_254 : i32
        %get3A_256 = arith.index_cast %mul3A_255 : i32 to index
        %get3A_257 = tpu.vector_load %arg5[%get3A_256] {strides = array<i32>} : memref<8192xf32, #tpu.memory_space<vmem>>, vector<16xf32>,
        %get3A_258 = vector.shape_cast %get3A_257 : vector<16xf32> to vector<16xf32>
        %mul3A_259 = arith.constant 256 : i32
        %mul3A_260 = arith.muli %scan3A_252, %mul3A_259 : i32
        %add3A_261 = arith.constant 16 : i32
        %add3A_262 = arith.addi %mul3A_260, %add3A_261 : i32
        %get3A_263 = arith.index_cast %add3A_262 : i32 to index
        %get3A_264 = tpu.vector_load %arg5[%get3A_263] {strides = array<i32>} : memref<8192xf32, #tpu.memory_space<vmem>>, vector<16xf32>,
        %get3A_265 = vector.shape_cast %get3A_264 : vector<16xf32> to vector<16xf32>
        %max3A = arith.maximumf %get3A_258, %get3A_265 : vector<16xf32>
        %mul3A_266 = arith.constant 256 : i32
        %mul3A_267 = arith.muli %scan3A_252, %mul3A_266 : i32
        %add3A_268 = arith.constant 32 : i32
        %add3A_269 = arith.addi %mul3A_267, %add3A_268 : i32
        %get3A_270 = arith.index_cast %add3A_269 : i32 to index
        %get3A_271 = tpu.vector_load %arg5[%get3A_270] {strides = array<i32>} : memref<8192xf32, #tpu.memory_space<vmem>>, vector<16xf32>,
        %get3A_272 = vector.shape_cast %get3A_271 : vector<16xf32> to vector<16xf32>
        %max3A_273 = arith.maximumf %max3A, %get3A_272 : vector<16xf32>
        %mul3A_274 = arith.constant 256 : i32
        %mul3A_275 = arith.muli %scan3A_252, %mul3A_274 : i32
        %add3A_276 = arith.constant 48 : i32
        %add3A_277 = arith.addi %mul3A_275, %add3A_276 : i32
        %get3A_278 = arith.index_cast %add3A_277 : i32 to index
        %get3A_279 = tpu.vector_load %arg5[%get3A_278] {strides = array<i32>} : memref<8192xf32, #tpu.memory_space<vmem>>, vector<16xf32>,
        %get3A_280 = vector.shape_cast %get3A_279 : vector<16xf32> to vector<16xf32>
        %max3A_281 = arith.maximumf %max3A_273, %get3A_280 : vector<16xf32>
        %mul3A_282 = arith.constant 256 : i32
        %mul3A_283 = arith.muli %scan3A_252, %mul3A_282 : i32
        %add3A_284 = arith.constant 64 : i32
        %add3A_285 = arith.addi %mul3A_283, %add3A_284 : i32
        %get3A_286 = arith.index_cast %add3A_285 : i32 to index
        %get3A_287 = tpu.vector_load %arg5[%get3A_286] {strides = array<i32>} : memref<8192xf32, #tpu.memory_space<vmem>>, vector<16xf32>,
        %get3A_288 = vector.shape_cast %get3A_287 : vector<16xf32> to vector<16xf32>
        %max3A_289 = arith.maximumf %max3A_281, %get3A_288 : vector<16xf32>
        %mul3A_290 = arith.constant 256 : i32
        %mul3A_291 = arith.muli %scan3A_252, %mul3A_290 : i32
        %add3A_292 = arith.constant 80 : i32
        %add3A_293 = arith.addi %mul3A_291, %add3A_292 : i32
        %get3A_294 = arith.index_cast %add3A_293 : i32 to index
        %get3A_295 = tpu.vector_load %arg5[%get3A_294] {strides = array<i32>} : memref<8192xf32, #tpu.memory_space<vmem>>, vector<16xf32>,
        %get3A_296 = vector.shape_cast %get3A_295 : vector<16xf32> to vector<16xf32>
        %max3A_297 = arith.maximumf %max3A_289, %get3A_296 : vector<16xf32>
        %mul3A_298 = arith.constant 256 : i32
        %mul3A_299 = arith.muli %scan3A_252, %mul3A_298 : i32
        %add3A_300 = arith.constant 96 : i32
        %add3A_301 = arith.addi %mul3A_299, %add3A_300 : i32
        %get3A_302 = arith.index_cast %add3A_301 : i32 to index
        %get3A_303 = tpu.vector_load %arg5[%get3A_302] {strides = array<i32>} : memref<8192xf32, #tpu.memory_space<vmem>>, vector<16xf32>,
        %get3A_304 = vector.shape_cast %get3A_303 : vector<16xf32> to vector<16xf32>
        %max3A_305 = arith.maximumf %max3A_297, %get3A_304 : vector<16xf32>
        %mul3A_306 = arith.constant 256 : i32
        %mul3A_307 = arith.muli %scan3A_252, %mul3A_306 : i32
        %add3A_308 = arith.constant 112 : i32
        %add3A_309 = arith.addi %mul3A_307, %add3A_308 : i32
        %get3A_310 = arith.index_cast %add3A_309 : i32 to index
        %get3A_311 = tpu.vector_load %arg5[%get3A_310] {strides = array<i32>} : memref<8192xf32, #tpu.memory_space<vmem>>, vector<16xf32>,
        %get3A_312 = vector.shape_cast %get3A_311 : vector<16xf32> to vector<16xf32>
        %max3A_313 = arith.maximumf %max3A_305, %get3A_312 : vector<16xf32>
        %mul3A_314 = arith.constant 256 : i32
        %mul3A_315 = arith.muli %scan3A_252, %mul3A_314 : i32
        %add3A_316 = arith.constant 128 : i32
        %add3A_317 = arith.addi %mul3A_315, %add3A_316 : i32
        %get3A_318 = arith.index_cast %add3A_317 : i32 to index
        %get3A_319 = tpu.vector_load %arg5[%get3A_318] {strides = array<i32>} : memref<8192xf32, #tpu.memory_space<vmem>>, vector<16xf32>,
        %get3A_320 = vector.shape_cast %get3A_319 : vector<16xf32> to vector<16xf32>
        %max3A_321 = arith.maximumf %max3A_313, %get3A_320 : vector<16xf32>
        %mul3A_322 = arith.constant 256 : i32
        %mul3A_323 = arith.muli %scan3A_252, %mul3A_322 : i32
        %add3A_324 = arith.constant 144 : i32
        %add3A_325 = arith.addi %mul3A_323, %add3A_324 : i32
        %get3A_326 = arith.index_cast %add3A_325 : i32 to index
        %get3A_327 = tpu.vector_load %arg5[%get3A_326] {strides = array<i32>} : memref<8192xf32, #tpu.memory_space<vmem>>, vector<16xf32>,
        %get3A_328 = vector.shape_cast %get3A_327 : vector<16xf32> to vector<16xf32>
        %max3A_329 = arith.maximumf %max3A_321, %get3A_328 : vector<16xf32>
        %mul3A_330 = arith.constant 256 : i32
        %mul3A_331 = arith.muli %scan3A_252, %mul3A_330 : i32
        %add3A_332 = arith.constant 160 : i32
        %add3A_333 = arith.addi %mul3A_331, %add3A_332 : i32
        %get3A_334 = arith.index_cast %add3A_333 : i32 to index
        %get3A_335 = tpu.vector_load %arg5[%get3A_334] {strides = array<i32>} : memref<8192xf32, #tpu.memory_space<vmem>>, vector<16xf32>,
        %get3A_336 = vector.shape_cast %get3A_335 : vector<16xf32> to vector<16xf32>
        %max3A_337 = arith.maximumf %max3A_329, %get3A_336 : vector<16xf32>
        %mul3A_338 = arith.constant 256 : i32
        %mul3A_339 = arith.muli %scan3A_252, %mul3A_338 : i32
        %add3A_340 = arith.constant 176 : i32
        %add3A_341 = arith.addi %mul3A_339, %add3A_340 : i32
        %get3A_342 = arith.index_cast %add3A_341 : i32 to index
        %get3A_343 = tpu.vector_load %arg5[%get3A_342] {strides = array<i32>} : memref<8192xf32, #tpu.memory_space<vmem>>, vector<16xf32>,
        %get3A_344 = vector.shape_cast %get3A_343 : vector<16xf32> to vector<16xf32>
        %max3A_345 = arith.maximumf %max3A_337, %get3A_344 : vector<16xf32>
        %mul3A_346 = arith.constant 256 : i32
        %mul3A_347 = arith.muli %scan3A_252, %mul3A_346 : i32
        %add3A_348 = arith.constant 192 : i32
        %add3A_349 = arith.addi %mul3A_347, %add3A_348 : i32
        %get3A_350 = arith.index_cast %add3A_349 : i32 to index
        %get3A_351 = tpu.vector_load %arg5[%get3A_350] {strides = array<i32>} : memref<8192xf32, #tpu.memory_space<vmem>>, vector<16xf32>,
        %get3A_352 = vector.shape_cast %get3A_351 : vector<16xf32> to vector<16xf32>
        %max3A_353 = arith.maximumf %max3A_345, %get3A_352 : vector<16xf32>
        %mul3A_354 = arith.constant 256 : i32
        %mul3A_355 = arith.muli %scan3A_252, %mul3A_354 : i32
        %add3A_356 = arith.constant 208 : i32
        %add3A_357 = arith.addi %mul3A_355, %add3A_356 : i32
        %get3A_358 = arith.index_cast %add3A_357 : i32 to index
        %get3A_359 = tpu.vector_load %arg5[%get3A_358] {strides = array<i32>} : memref<8192xf32, #tpu.memory_space<vmem>>, vector<16xf32>,
        %get3A_360 = vector.shape_cast %get3A_359 : vector<16xf32> to vector<16xf32>
        %max3A_361 = arith.maximumf %max3A_353, %get3A_360 : vector<16xf32>
        %mul3A_362 = arith.constant 256 : i32
        %mul3A_363 = arith.muli %scan3A_252, %mul3A_362 : i32
        %add3A_364 = arith.constant 224 : i32
        %add3A_365 = arith.addi %mul3A_363, %add3A_364 : i32
        %get3A_366 = arith.index_cast %add3A_365 : i32 to index
        %get3A_367 = tpu.vector_load %arg5[%get3A_366] {strides = array<i32>} : memref<8192xf32, #tpu.memory_space<vmem>>, vector<16xf32>,
        %get3A_368 = vector.shape_cast %get3A_367 : vector<16xf32> to vector<16xf32>
        %max3A_369 = arith.maximumf %max3A_361, %get3A_368 : vector<16xf32>
        %mul3A_370 = arith.constant 256 : i32
        %mul3A_371 = arith.muli %scan3A_252, %mul3A_370 : i32
        %add3A_372 = arith.constant 240 : i32
        %add3A_373 = arith.addi %mul3A_371, %add3A_372 : i32
        %get3A_374 = arith.index_cast %add3A_373 : i32 to index
        %get3A_375 = tpu.vector_load %arg5[%get3A_374] {strides = array<i32>} : memref<8192xf32, #tpu.memory_space<vmem>>, vector<16xf32>,
        %get3A_376 = vector.shape_cast %get3A_375 : vector<16xf32> to vector<16xf32>
        %max3A_377 = arith.maximumf %max3A_369, %get3A_376 : vector<16xf32>
        %xor3A_378 = arith.constant 1 : i32
        %xor3A_379 = vector.broadcast %xor3A_378 : i32 to vector<16xi32>
        %xor3A_380 = arith.xori %iota3A, %xor3A_379 : vector<16xi32>
        %lt3A_381 = arith.constant 0 : i32
        %lt3A_382 = vector.broadcast %lt3A_381 : i32 to vector<16xi32>
        %lt3A_383 = arith.cmpi slt, %xor3A_380, %lt3A_382 : vector<16xi32>
        %add3A_384 = arith.constant 16 : i32
        %add3A_385 = vector.broadcast %add3A_384 : i32 to vector<16xi32>
        %add3A_386 = arith.addi %xor3A_380, %add3A_385 : vector<16xi32>
        %select_n3A_387 = arith.select %lt3A_383, %add3A_386, %xor3A_380 : vector<16xi1>, vector<16xi32>
        %reshape3A_388 = vector.shape_cast %select_n3A_387 : vector<16xi32> to vector<16x1xi32>
        %gather3A_389 = vector.shape_cast %reshape3A_388 : vector<16x1xi32> to vector<16xi32>
        %gather3A_390 = tpu.dynamic_gather %max3A_377[%gather3A_389] in [0] : vector<16xf32>, vector<16xi32> -> vector<16xf32>
        %max3A_391 = arith.maximumf %max3A_377, %gather3A_390 : vector<16xf32>
        %xor3A_392 = arith.constant 2 : i32
        %xor3A_393 = vector.broadcast %xor3A_392 : i32 to vector<16xi32>
        %xor3A_394 = arith.xori %iota3A, %xor3A_393 : vector<16xi32>
        %lt3A_395 = arith.constant 0 : i32
        %lt3A_396 = vector.broadcast %lt3A_395 : i32 to vector<16xi32>
        %lt3A_397 = arith.cmpi slt, %xor3A_394, %lt3A_396 : vector<16xi32>
        %add3A_398 = arith.constant 16 : i32
        %add3A_399 = vector.broadcast %add3A_398 : i32 to vector<16xi32>
        %add3A_400 = arith.addi %xor3A_394, %add3A_399 : vector<16xi32>
        %select_n3A_401 = arith.select %lt3A_397, %add3A_400, %xor3A_394 : vector<16xi1>, vector<16xi32>
        %reshape3A_402 = vector.shape_cast %select_n3A_401 : vector<16xi32> to vector<16x1xi32>
        %gather3A_403 = vector.shape_cast %reshape3A_402 : vector<16x1xi32> to vector<16xi32>
        %gather3A_404 = tpu.dynamic_gather %max3A_391[%gather3A_403] in [0] : vector<16xf32>, vector<16xi32> -> vector<16xf32>
        %max3A_405 = arith.maximumf %max3A_391, %gather3A_404 : vector<16xf32>
        %xor3A_406 = arith.constant 4 : i32
        %xor3A_407 = vector.broadcast %xor3A_406 : i32 to vector<16xi32>
        %xor3A_408 = arith.xori %iota3A, %xor3A_407 : vector<16xi32>
        %lt3A_409 = arith.constant 0 : i32
        %lt3A_410 = vector.broadcast %lt3A_409 : i32 to vector<16xi32>
        %lt3A_411 = arith.cmpi slt, %xor3A_408, %lt3A_410 : vector<16xi32>
        %add3A_412 = arith.constant 16 : i32
        %add3A_413 = vector.broadcast %add3A_412 : i32 to vector<16xi32>
        %add3A_414 = arith.addi %xor3A_408, %add3A_413 : vector<16xi32>
        %select_n3A_415 = arith.select %lt3A_411, %add3A_414, %xor3A_408 : vector<16xi1>, vector<16xi32>
        %reshape3A_416 = vector.shape_cast %select_n3A_415 : vector<16xi32> to vector<16x1xi32>
        %gather3A_417 = vector.shape_cast %reshape3A_416 : vector<16x1xi32> to vector<16xi32>
        %gather3A_418 = tpu.dynamic_gather %max3A_405[%gather3A_417] in [0] : vector<16xf32>, vector<16xi32> -> vector<16xf32>
        %max3A_419 = arith.maximumf %max3A_405, %gather3A_418 : vector<16xf32>
        %xor3A_420 = arith.constant 8 : i32
        %xor3A_421 = vector.broadcast %xor3A_420 : i32 to vector<16xi32>
        %xor3A_422 = arith.xori %iota3A, %xor3A_421 : vector<16xi32>
        %lt3A_423 = arith.constant 0 : i32
        %lt3A_424 = vector.broadcast %lt3A_423 : i32 to vector<16xi32>
        %lt3A_425 = arith.cmpi slt, %xor3A_422, %lt3A_424 : vector<16xi32>
        %add3A_426 = arith.constant 16 : i32
        %add3A_427 = vector.broadcast %add3A_426 : i32 to vector<16xi32>
        %add3A_428 = arith.addi %xor3A_422, %add3A_427 : vector<16xi32>
        %select_n3A_429 = arith.select %lt3A_425, %add3A_428, %xor3A_422 : vector<16xi1>, vector<16xi32>
        %reshape3A_430 = vector.shape_cast %select_n3A_429 : vector<16xi32> to vector<16x1xi32>
        %gather3A_431 = vector.shape_cast %reshape3A_430 : vector<16x1xi32> to vector<16xi32>
        %gather3A_432 = tpu.dynamic_gather %max3A_419[%gather3A_431] in [0] : vector<16xf32>, vector<16xi32> -> vector<16xf32>
        %max3A_433 = arith.maximumf %max3A_419, %gather3A_432 : vector<16xf32>
        %slice3A_434 = vector.extract_strided_slice %max3A_433 {offsets = [0], sizes = [1], strides = [1]} : vector<16xf32> to vector<1xf32>
        %squeeze3A_435 = vector.extract %slice3A_434[0] : f32 from vector<1xf32>
        %gt3A = arith.cmpf ogt, %squeeze3A_435, %scan3A_253 : f32
        %convert_element_type3A_436 = arith.extui %gt3A : i1 to i32
        %cond3A_437 = arith.constant 0 : i32
        %cond3A_438 = arith.cmpi ne, %convert_element_type3A_436, %cond3A_437 : i32
        %cond3A_439 = scf.if %cond3A_438 -> (f32) {
          %scan3A_440 = arith.constant 0 : i32
          %scan3A_441 = arith.constant 16 : i32
          %scan3A_442 = arith.addi %scan3A_440, %scan3A_441 : i32
          %scan3A_443 = arith.constant 1 : i32
          %scan3A_444 = scf.for %scan3A_446 = %scan3A_440 to %scan3A_442 step %scan3A_443 iter_args(%scan3A_447 = %scan3A_253) -> (f32)  : i32 {
            %mul3A_448 = arith.constant 16 : i32
            %mul3A_449 = arith.muli %scan3A_252, %mul3A_448 : i32
            %add3A_450 = arith.addi %mul3A_449, %scan3A_446 : i32
            %mul3A_451 = arith.constant 16 : i32
            %mul3A_452 = arith.muli %add3A_450, %mul3A_451 : i32
            %get3A_453 = arith.index_cast %mul3A_452 : i32 to index
            %get3A_454 = tpu.vector_load %arg5[%get3A_453] {strides = array<i32>} : memref<8192xf32, #tpu.memory_space<vmem>>, vector<16xf32>,
            %get3A_455 = vector.shape_cast %get3A_454 : vector<16xf32> to vector<16xf32>
            %xor3A_456 = arith.constant 1 : i32
            %xor3A_457 = vector.broadcast %xor3A_456 : i32 to vector<16xi32>
            %xor3A_458 = arith.xori %iota3A, %xor3A_457 : vector<16xi32>
            %lt3A_459 = arith.constant 0 : i32
            %lt3A_460 = vector.broadcast %lt3A_459 : i32 to vector<16xi32>
            %lt3A_461 = arith.cmpi slt, %xor3A_458, %lt3A_460 : vector<16xi32>
            %add3A_462 = arith.constant 16 : i32
            %add3A_463 = vector.broadcast %add3A_462 : i32 to vector<16xi32>
            %add3A_464 = arith.addi %xor3A_458, %add3A_463 : vector<16xi32>
            %select_n3A_465 = arith.select %lt3A_461, %add3A_464, %xor3A_458 : vector<16xi1>, vector<16xi32>
            %reshape3A_466 = vector.shape_cast %select_n3A_465 : vector<16xi32> to vector<16x1xi32>
            %gather3A_467 = vector.shape_cast %reshape3A_466 : vector<16x1xi32> to vector<16xi32>
            %gather3A_468 = tpu.dynamic_gather %get3A_455[%gather3A_467] in [0] : vector<16xf32>, vector<16xi32> -> vector<16xf32>
            %max3A_469 = arith.maximumf %get3A_455, %gather3A_468 : vector<16xf32>
            %xor3A_470 = arith.constant 2 : i32
            %xor3A_471 = vector.broadcast %xor3A_470 : i32 to vector<16xi32>
            %xor3A_472 = arith.xori %iota3A, %xor3A_471 : vector<16xi32>
            %lt3A_473 = arith.constant 0 : i32
            %lt3A_474 = vector.broadcast %lt3A_473 : i32 to vector<16xi32>
            %lt3A_475 = arith.cmpi slt, %xor3A_472, %lt3A_474 : vector<16xi32>
            %add3A_476 = arith.constant 16 : i32
            %add3A_477 = vector.broadcast %add3A_476 : i32 to vector<16xi32>
            %add3A_478 = arith.addi %xor3A_472, %add3A_477 : vector<16xi32>
            %select_n3A_479 = arith.select %lt3A_475, %add3A_478, %xor3A_472 : vector<16xi1>, vector<16xi32>
            %reshape3A_480 = vector.shape_cast %select_n3A_479 : vector<16xi32> to vector<16x1xi32>
            %gather3A_481 = vector.shape_cast %reshape3A_480 : vector<16x1xi32> to vector<16xi32>
            %gather3A_482 = tpu.dynamic_gather %max3A_469[%gather3A_481] in [0] : vector<16xf32>, vector<16xi32> -> vector<16xf32>
            %max3A_483 = arith.maximumf %max3A_469, %gather3A_482 : vector<16xf32>
            %xor3A_484 = arith.constant 4 : i32
            %xor3A_485 = vector.broadcast %xor3A_484 : i32 to vector<16xi32>
            %xor3A_486 = arith.xori %iota3A, %xor3A_485 : vector<16xi32>
            %lt3A_487 = arith.constant 0 : i32
            %lt3A_488 = vector.broadcast %lt3A_487 : i32 to vector<16xi32>
            %lt3A_489 = arith.cmpi slt, %xor3A_486, %lt3A_488 : vector<16xi32>
            %add3A_490 = arith.constant 16 : i32
            %add3A_491 = vector.broadcast %add3A_490 : i32 to vector<16xi32>
            %add3A_492 = arith.addi %xor3A_486, %add3A_491 : vector<16xi32>
            %select_n3A_493 = arith.select %lt3A_489, %add3A_492, %xor3A_486 : vector<16xi1>, vector<16xi32>
            %reshape3A_494 = vector.shape_cast %select_n3A_493 : vector<16xi32> to vector<16x1xi32>
            %gather3A_495 = vector.shape_cast %reshape3A_494 : vector<16x1xi32> to vector<16xi32>
            %gather3A_496 = tpu.dynamic_gather %max3A_483[%gather3A_495] in [0] : vector<16xf32>, vector<16xi32> -> vector<16xf32>
            %max3A_497 = arith.maximumf %max3A_483, %gather3A_496 : vector<16xf32>
            %xor3A_498 = arith.constant 8 : i32
            %xor3A_499 = vector.broadcast %xor3A_498 : i32 to vector<16xi32>
            %xor3A_500 = arith.xori %iota3A, %xor3A_499 : vector<16xi32>
            %lt3A_501 = arith.constant 0 : i32
            %lt3A_502 = vector.broadcast %lt3A_501 : i32 to vector<16xi32>
            %lt3A_503 = arith.cmpi slt, %xor3A_500, %lt3A_502 : vector<16xi32>
            %add3A_504 = arith.constant 16 : i32
            %add3A_505 = vector.broadcast %add3A_504 : i32 to vector<16xi32>
            %add3A_506 = arith.addi %xor3A_500, %add3A_505 : vector<16xi32>
            %select_n3A_507 = arith.select %lt3A_503, %add3A_506, %xor3A_500 : vector<16xi1>, vector<16xi32>
            %reshape3A_508 = vector.shape_cast %select_n3A_507 : vector<16xi32> to vector<16x1xi32>
            %gather3A_509 = vector.shape_cast %reshape3A_508 : vector<16x1xi32> to vector<16xi32>
            %gather3A_510 = tpu.dynamic_gather %max3A_497[%gather3A_509] in [0] : vector<16xf32>, vector<16xi32> -> vector<16xf32>
            %max3A_511 = arith.maximumf %max3A_497, %gather3A_510 : vector<16xf32>
            %slice3A_512 = vector.extract_strided_slice %max3A_511 {offsets = [0], sizes = [1], strides = [1]} : vector<16xf32> to vector<1xf32>
            %squeeze3A_513 = vector.extract %slice3A_512[0] : f32 from vector<1xf32>
            %gt3A_514 = arith.cmpf ogt, %squeeze3A_513, %scan3A_447 : f32
            %convert_element_type3A_515 = arith.extui %gt3A_514 : i1 to i32
            %cond3A_516 = arith.constant 0 : i32
            %cond3A_517 = arith.cmpi ne, %convert_element_type3A_515, %cond3A_516 : i32
            %cond3A_518 = scf.if %cond3A_517 -> (f32) {
              %mul3A_519 = arith.constant 16 : i32
              %mul3A_520 = arith.muli %add3A_450, %mul3A_519 : i32
              %get3A_521 = arith.index_cast %mul3A_520 : i32 to index
              %get3A_522 = tpu.vector_load %arg5[%get3A_521] {strides = array<i32>} : memref<8192xf32, #tpu.memory_space<vmem>>, vector<16xf32>,
              %get3A_523 = vector.shape_cast %get3A_522 : vector<16xf32> to vector<16xf32>
              %mul3A_524 = arith.constant 16 : i32
              %mul3A_525 = arith.muli %add3A_450, %mul3A_524 : i32
              %add3A_526 = vector.broadcast %mul3A_525 : i32 to vector<16xi32>
              %add3A_527 = arith.addi %add3A_526, %iota3A : vector<16xi32>
              %and3A_528 = arith.constant 1 : i32
              %and3A_529 = vector.broadcast %and3A_528 : i32 to vector<16xi32>
              %and3A_530 = arith.andi %iota3A, %and3A_529 : vector<16xi32>
              %ne3A = arith.constant 0 : i32
              %ne3A_531 = vector.broadcast %ne3A : i32 to vector<16xi32>
              %ne3A_532 = arith.cmpi ne, %and3A_530, %ne3A_531 : vector<16xi32>
              %and3A_533 = arith.constant 2 : i32
              %and3A_534 = vector.broadcast %and3A_533 : i32 to vector<16xi32>
              %and3A_535 = arith.andi %iota3A, %and3A_534 : vector<16xi32>
              %eq3A_536 = arith.constant 0 : i32
              %eq3A_537 = vector.broadcast %eq3A_536 : i32 to vector<16xi32>
              %eq3A_538 = arith.cmpi eq, %and3A_535, %eq3A_537 : vector<16xi32>
              %xor3A_539 = arith.xori %ne3A_532, %eq3A_538 : vector<16xi1>
              %xor3A_540 = arith.constant 1 : i32
              %xor3A_541 = vector.broadcast %xor3A_540 : i32 to vector<16xi32>
              %xor3A_542 = arith.xori %iota3A, %xor3A_541 : vector<16xi32>
              %lt3A_543 = arith.constant 0 : i32
              %lt3A_544 = vector.broadcast %lt3A_543 : i32 to vector<16xi32>
              %lt3A_545 = arith.cmpi slt, %xor3A_542, %lt3A_544 : vector<16xi32>
              %add3A_546 = arith.constant 16 : i32
              %add3A_547 = vector.broadcast %add3A_546 : i32 to vector<16xi32>
              %add3A_548 = arith.addi %xor3A_542, %add3A_547 : vector<16xi32>
              %select_n3A_549 = arith.select %lt3A_545, %add3A_548, %xor3A_542 : vector<16xi1>, vector<16xi32>
              %reshape3A_550 = vector.shape_cast %select_n3A_549 : vector<16xi32> to vector<16x1xi32>
              %gather3A_551 = vector.shape_cast %reshape3A_550 : vector<16x1xi32> to vector<16xi32>
              %gather3A_552 = tpu.dynamic_gather %get3A_523[%gather3A_551] in [0] : vector<16xf32>, vector<16xi32> -> vector<16xf32>
              %lt3A_553 = arith.constant 0 : i32
              %lt3A_554 = vector.broadcast %lt3A_553 : i32 to vector<16xi32>
              %lt3A_555 = arith.cmpi slt, %xor3A_542, %lt3A_554 : vector<16xi32>
              %add3A_556 = arith.constant 16 : i32
              %add3A_557 = vector.broadcast %add3A_556 : i32 to vector<16xi32>
              %add3A_558 = arith.addi %xor3A_542, %add3A_557 : vector<16xi32>
              %select_n3A_559 = arith.select %lt3A_555, %add3A_558, %xor3A_542 : vector<16xi1>, vector<16xi32>
              %reshape3A_560 = vector.shape_cast %select_n3A_559 : vector<16xi32> to vector<16x1xi32>
              %gather3A_561 = vector.shape_cast %reshape3A_560 : vector<16x1xi32> to vector<16xi32>
              %gather3A_562 = tpu.dynamic_gather %add3A_527[%gather3A_561] in [0] : vector<16xi32>, vector<16xi32> -> vector<16xi32>
              %gt3A_563 = arith.cmpf ogt, %get3A_523, %gather3A_552 : vector<16xf32>
              %eq3A_564 = arith.cmpf oeq, %get3A_523, %gather3A_552 : vector<16xf32>
              %lt3A_565 = arith.cmpi slt, %add3A_527, %gather3A_562 : vector<16xi32>
              %and3A_566 = arith.andi %eq3A_564, %lt3A_565 : vector<16xi1>
              %or3A = arith.ori %gt3A_563, %and3A_566 : vector<16xi1>
              %xor3A_567 = arith.xori %or3A, %xor3A_539 : vector<16xi1>
              %select_n3A_568 = arith.select %xor3A_567, %get3A_523, %gather3A_552 : vector<16xi1>, vector<16xf32>
              %select_n3A_569 = arith.select %xor3A_567, %add3A_527, %gather3A_562 : vector<16xi1>, vector<16xi32>
              %and3A_570 = arith.constant 2 : i32
              %and3A_571 = vector.broadcast %and3A_570 : i32 to vector<16xi32>
              %and3A_572 = arith.andi %iota3A, %and3A_571 : vector<16xi32>
              %ne3A_573 = arith.constant 0 : i32
              %ne3A_574 = vector.broadcast %ne3A_573 : i32 to vector<16xi32>
              %ne3A_575 = arith.cmpi ne, %and3A_572, %ne3A_574 : vector<16xi32>
              %and3A_576 = arith.constant 4 : i32
              %and3A_577 = vector.broadcast %and3A_576 : i32 to vector<16xi32>
              %and3A_578 = arith.andi %iota3A, %and3A_577 : vector<16xi32>
              %eq3A_579 = arith.constant 0 : i32
              %eq3A_580 = vector.broadcast %eq3A_579 : i32 to vector<16xi32>
              %eq3A_581 = arith.cmpi eq, %and3A_578, %eq3A_580 : vector<16xi32>
              %xor3A_582 = arith.xori %ne3A_575, %eq3A_581 : vector<16xi1>
              %xor3A_583 = arith.constant 2 : i32
              %xor3A_584 = vector.broadcast %xor3A_583 : i32 to vector<16xi32>
              %xor3A_585 = arith.xori %iota3A, %xor3A_584 : vector<16xi32>
              %lt3A_586 = arith.constant 0 : i32
              %lt3A_587 = vector.broadcast %lt3A_586 : i32 to vector<16xi32>
              %lt3A_588 = arith.cmpi slt, %xor3A_585, %lt3A_587 : vector<16xi32>
              %add3A_589 = arith.constant 16 : i32
              %add3A_590 = vector.broadcast %add3A_589 : i32 to vector<16xi32>
              %add3A_591 = arith.addi %xor3A_585, %add3A_590 : vector<16xi32>
              %select_n3A_592 = arith.select %lt3A_588, %add3A_591, %xor3A_585 : vector<16xi1>, vector<16xi32>
              %reshape3A_593 = vector.shape_cast %select_n3A_592 : vector<16xi32> to vector<16x1xi32>
              %gather3A_594 = vector.shape_cast %reshape3A_593 : vector<16x1xi32> to vector<16xi32>
              %gather3A_595 = tpu.dynamic_gather %select_n3A_568[%gather3A_594] in [0] : vector<16xf32>, vector<16xi32> -> vector<16xf32>
              %lt3A_596 = arith.constant 0 : i32
              %lt3A_597 = vector.broadcast %lt3A_596 : i32 to vector<16xi32>
              %lt3A_598 = arith.cmpi slt, %xor3A_585, %lt3A_597 : vector<16xi32>
              %add3A_599 = arith.constant 16 : i32
              %add3A_600 = vector.broadcast %add3A_599 : i32 to vector<16xi32>
              %add3A_601 = arith.addi %xor3A_585, %add3A_600 : vector<16xi32>
              %select_n3A_602 = arith.select %lt3A_598, %add3A_601, %xor3A_585 : vector<16xi1>, vector<16xi32>
              %reshape3A_603 = vector.shape_cast %select_n3A_602 : vector<16xi32> to vector<16x1xi32>
              %gather3A_604 = vector.shape_cast %reshape3A_603 : vector<16x1xi32> to vector<16xi32>
              %gather3A_605 = tpu.dynamic_gather %select_n3A_569[%gather3A_604] in [0] : vector<16xi32>, vector<16xi32> -> vector<16xi32>
              %gt3A_606 = arith.cmpf ogt, %select_n3A_568, %gather3A_595 : vector<16xf32>
              %eq3A_607 = arith.cmpf oeq, %select_n3A_568, %gather3A_595 : vector<16xf32>
              %lt3A_608 = arith.cmpi slt, %select_n3A_569, %gather3A_605 : vector<16xi32>
              %and3A_609 = arith.andi %eq3A_607, %lt3A_608 : vector<16xi1>
              %or3A_610 = arith.ori %gt3A_606, %and3A_609 : vector<16xi1>
              %xor3A_611 = arith.xori %or3A_610, %xor3A_582 : vector<16xi1>
              %select_n3A_612 = arith.select %xor3A_611, %select_n3A_568, %gather3A_595 : vector<16xi1>, vector<16xf32>
              %select_n3A_613 = arith.select %xor3A_611, %select_n3A_569, %gather3A_605 : vector<16xi1>, vector<16xi32>
              %and3A_614 = arith.constant 1 : i32
              %and3A_615 = vector.broadcast %and3A_614 : i32 to vector<16xi32>
              %and3A_616 = arith.andi %iota3A, %and3A_615 : vector<16xi32>
              %ne3A_617 = arith.constant 0 : i32
              %ne3A_618 = vector.broadcast %ne3A_617 : i32 to vector<16xi32>
              %ne3A_619 = arith.cmpi ne, %and3A_616, %ne3A_618 : vector<16xi32>
              %and3A_620 = arith.constant 4 : i32
              %and3A_621 = vector.broadcast %and3A_620 : i32 to vector<16xi32>
              %and3A_622 = arith.andi %iota3A, %and3A_621 : vector<16xi32>
              %eq3A_623 = arith.constant 0 : i32
              %eq3A_624 = vector.broadcast %eq3A_623 : i32 to vector<16xi32>
              %eq3A_625 = arith.cmpi eq, %and3A_622, %eq3A_624 : vector<16xi32>
              %xor3A_626 = arith.xori %ne3A_619, %eq3A_625 : vector<16xi1>
              %xor3A_627 = arith.constant 1 : i32
              %xor3A_628 = vector.broadcast %xor3A_627 : i32 to vector<16xi32>
              %xor3A_629 = arith.xori %iota3A, %xor3A_628 : vector<16xi32>
              %lt3A_630 = arith.constant 0 : i32
              %lt3A_631 = vector.broadcast %lt3A_630 : i32 to vector<16xi32>
              %lt3A_632 = arith.cmpi slt, %xor3A_629, %lt3A_631 : vector<16xi32>
              %add3A_633 = arith.constant 16 : i32
              %add3A_634 = vector.broadcast %add3A_633 : i32 to vector<16xi32>
              %add3A_635 = arith.addi %xor3A_629, %add3A_634 : vector<16xi32>
              %select_n3A_636 = arith.select %lt3A_632, %add3A_635, %xor3A_629 : vector<16xi1>, vector<16xi32>
              %reshape3A_637 = vector.shape_cast %select_n3A_636 : vector<16xi32> to vector<16x1xi32>
              %gather3A_638 = vector.shape_cast %reshape3A_637 : vector<16x1xi32> to vector<16xi32>
              %gather3A_639 = tpu.dynamic_gather %select_n3A_612[%gather3A_638] in [0] : vector<16xf32>, vector<16xi32> -> vector<16xf32>
              %lt3A_640 = arith.constant 0 : i32
              %lt3A_641 = vector.broadcast %lt3A_640 : i32 to vector<16xi32>
              %lt3A_642 = arith.cmpi slt, %xor3A_629, %lt3A_641 : vector<16xi32>
              %add3A_643 = arith.constant 16 : i32
              %add3A_644 = vector.broadcast %add3A_643 : i32 to vector<16xi32>
              %add3A_645 = arith.addi %xor3A_629, %add3A_644 : vector<16xi32>
              %select_n3A_646 = arith.select %lt3A_642, %add3A_645, %xor3A_629 : vector<16xi1>, vector<16xi32>
              %reshape3A_647 = vector.shape_cast %select_n3A_646 : vector<16xi32> to vector<16x1xi32>
              %gather3A_648 = vector.shape_cast %reshape3A_647 : vector<16x1xi32> to vector<16xi32>
              %gather3A_649 = tpu.dynamic_gather %select_n3A_613[%gather3A_648] in [0] : vector<16xi32>, vector<16xi32> -> vector<16xi32>
              %gt3A_650 = arith.cmpf ogt, %select_n3A_612, %gather3A_639 : vector<16xf32>
              %eq3A_651 = arith.cmpf oeq, %select_n3A_612, %gather3A_639 : vector<16xf32>
              %lt3A_652 = arith.cmpi slt, %select_n3A_613, %gather3A_649 : vector<16xi32>
              %and3A_653 = arith.andi %eq3A_651, %lt3A_652 : vector<16xi1>
              %or3A_654 = arith.ori %gt3A_650, %and3A_653 : vector<16xi1>
              %xor3A_655 = arith.xori %or3A_654, %xor3A_626 : vector<16xi1>
              %select_n3A_656 = arith.select %xor3A_655, %select_n3A_612, %gather3A_639 : vector<16xi1>, vector<16xf32>
              %select_n3A_657 = arith.select %xor3A_655, %select_n3A_613, %gather3A_649 : vector<16xi1>, vector<16xi32>
              %and3A_658 = arith.constant 4 : i32
              %and3A_659 = vector.broadcast %and3A_658 : i32 to vector<16xi32>
              %and3A_660 = arith.andi %iota3A, %and3A_659 : vector<16xi32>
              %ne3A_661 = arith.constant 0 : i32
              %ne3A_662 = vector.broadcast %ne3A_661 : i32 to vector<16xi32>
              %ne3A_663 = arith.cmpi ne, %and3A_660, %ne3A_662 : vector<16xi32>
              %and3A_664 = arith.constant 8 : i32
              %and3A_665 = vector.broadcast %and3A_664 : i32 to vector<16xi32>
              %and3A_666 = arith.andi %iota3A, %and3A_665 : vector<16xi32>
              %eq3A_667 = arith.constant 0 : i32
              %eq3A_668 = vector.broadcast %eq3A_667 : i32 to vector<16xi32>
              %eq3A_669 = arith.cmpi eq, %and3A_666, %eq3A_668 : vector<16xi32>
              %xor3A_670 = arith.xori %ne3A_663, %eq3A_669 : vector<16xi1>
              %xor3A_671 = arith.constant 4 : i32
              %xor3A_672 = vector.broadcast %xor3A_671 : i32 to vector<16xi32>
              %xor3A_673 = arith.xori %iota3A, %xor3A_672 : vector<16xi32>
              %lt3A_674 = arith.constant 0 : i32
              %lt3A_675 = vector.broadcast %lt3A_674 : i32 to vector<16xi32>
              %lt3A_676 = arith.cmpi slt, %xor3A_673, %lt3A_675 : vector<16xi32>
              %add3A_677 = arith.constant 16 : i32
              %add3A_678 = vector.broadcast %add3A_677 : i32 to vector<16xi32>
              %add3A_679 = arith.addi %xor3A_673, %add3A_678 : vector<16xi32>
              %select_n3A_680 = arith.select %lt3A_676, %add3A_679, %xor3A_673 : vector<16xi1>, vector<16xi32>
              %reshape3A_681 = vector.shape_cast %select_n3A_680 : vector<16xi32> to vector<16x1xi32>
              %gather3A_682 = vector.shape_cast %reshape3A_681 : vector<16x1xi32> to vector<16xi32>
              %gather3A_683 = tpu.dynamic_gather %select_n3A_656[%gather3A_682] in [0] : vector<16xf32>, vector<16xi32> -> vector<16xf32>
              %lt3A_684 = arith.constant 0 : i32
              %lt3A_685 = vector.broadcast %lt3A_684 : i32 to vector<16xi32>
              %lt3A_686 = arith.cmpi slt, %xor3A_673, %lt3A_685 : vector<16xi32>
              %add3A_687 = arith.constant 16 : i32
              %add3A_688 = vector.broadcast %add3A_687 : i32 to vector<16xi32>
              %add3A_689 = arith.addi %xor3A_673, %add3A_688 : vector<16xi32>
              %select_n3A_690 = arith.select %lt3A_686, %add3A_689, %xor3A_673 : vector<16xi1>, vector<16xi32>
              %reshape3A_691 = vector.shape_cast %select_n3A_690 : vector<16xi32> to vector<16x1xi32>
              %gather3A_692 = vector.shape_cast %reshape3A_691 : vector<16x1xi32> to vector<16xi32>
              %gather3A_693 = tpu.dynamic_gather %select_n3A_657[%gather3A_692] in [0] : vector<16xi32>, vector<16xi32> -> vector<16xi32>
              %gt3A_694 = arith.cmpf ogt, %select_n3A_656, %gather3A_683 : vector<16xf32>
              %eq3A_695 = arith.cmpf oeq, %select_n3A_656, %gather3A_683 : vector<16xf32>
              %lt3A_696 = arith.cmpi slt, %select_n3A_657, %gather3A_693 : vector<16xi32>
              %and3A_697 = arith.andi %eq3A_695, %lt3A_696 : vector<16xi1>
              %or3A_698 = arith.ori %gt3A_694, %and3A_697 : vector<16xi1>
              %xor3A_699 = arith.xori %or3A_698, %xor3A_670 : vector<16xi1>
              %select_n3A_700 = arith.select %xor3A_699, %select_n3A_656, %gather3A_683 : vector<16xi1>, vector<16xf32>
              %select_n3A_701 = arith.select %xor3A_699, %select_n3A_657, %gather3A_693 : vector<16xi1>, vector<16xi32>
              %and3A_702 = arith.constant 2 : i32
              %and3A_703 = vector.broadcast %and3A_702 : i32 to vector<16xi32>
              %and3A_704 = arith.andi %iota3A, %and3A_703 : vector<16xi32>
              %ne3A_705 = arith.constant 0 : i32
              %ne3A_706 = vector.broadcast %ne3A_705 : i32 to vector<16xi32>
              %ne3A_707 = arith.cmpi ne, %and3A_704, %ne3A_706 : vector<16xi32>
              %and3A_708 = arith.constant 8 : i32
              %and3A_709 = vector.broadcast %and3A_708 : i32 to vector<16xi32>
              %and3A_710 = arith.andi %iota3A, %and3A_709 : vector<16xi32>
              %eq3A_711 = arith.constant 0 : i32
              %eq3A_712 = vector.broadcast %eq3A_711 : i32 to vector<16xi32>
              %eq3A_713 = arith.cmpi eq, %and3A_710, %eq3A_712 : vector<16xi32>
              %xor3A_714 = arith.xori %ne3A_707, %eq3A_713 : vector<16xi1>
              %xor3A_715 = arith.constant 2 : i32
              %xor3A_716 = vector.broadcast %xor3A_715 : i32 to vector<16xi32>
              %xor3A_717 = arith.xori %iota3A, %xor3A_716 : vector<16xi32>
              %lt3A_718 = arith.constant 0 : i32
              %lt3A_719 = vector.broadcast %lt3A_718 : i32 to vector<16xi32>
              %lt3A_720 = arith.cmpi slt, %xor3A_717, %lt3A_719 : vector<16xi32>
              %add3A_721 = arith.constant 16 : i32
              %add3A_722 = vector.broadcast %add3A_721 : i32 to vector<16xi32>
              %add3A_723 = arith.addi %xor3A_717, %add3A_722 : vector<16xi32>
              %select_n3A_724 = arith.select %lt3A_720, %add3A_723, %xor3A_717 : vector<16xi1>, vector<16xi32>
              %reshape3A_725 = vector.shape_cast %select_n3A_724 : vector<16xi32> to vector<16x1xi32>
              %gather3A_726 = vector.shape_cast %reshape3A_725 : vector<16x1xi32> to vector<16xi32>
              %gather3A_727 = tpu.dynamic_gather %select_n3A_700[%gather3A_726] in [0] : vector<16xf32>, vector<16xi32> -> vector<16xf32>
              %lt3A_728 = arith.constant 0 : i32
              %lt3A_729 = vector.broadcast %lt3A_728 : i32 to vector<16xi32>
              %lt3A_730 = arith.cmpi slt, %xor3A_717, %lt3A_729 : vector<16xi32>
              %add3A_731 = arith.constant 16 : i32
              %add3A_732 = vector.broadcast %add3A_731 : i32 to vector<16xi32>
              %add3A_733 = arith.addi %xor3A_717, %add3A_732 : vector<16xi32>
              %select_n3A_734 = arith.select %lt3A_730, %add3A_733, %xor3A_717 : vector<16xi1>, vector<16xi32>
              %reshape3A_735 = vector.shape_cast %select_n3A_734 : vector<16xi32> to vector<16x1xi32>
              %gather3A_736 = vector.shape_cast %reshape3A_735 : vector<16x1xi32> to vector<16xi32>
              %gather3A_737 = tpu.dynamic_gather %select_n3A_701[%gather3A_736] in [0] : vector<16xi32>, vector<16xi32> -> vector<16xi32>
              %gt3A_738 = arith.cmpf ogt, %select_n3A_700, %gather3A_727 : vector<16xf32>
              %eq3A_739 = arith.cmpf oeq, %select_n3A_700, %gather3A_727 : vector<16xf32>
              %lt3A_740 = arith.cmpi slt, %select_n3A_701, %gather3A_737 : vector<16xi32>
              %and3A_741 = arith.andi %eq3A_739, %lt3A_740 : vector<16xi1>
              %or3A_742 = arith.ori %gt3A_738, %and3A_741 : vector<16xi1>
              %xor3A_743 = arith.xori %or3A_742, %xor3A_714 : vector<16xi1>
              %select_n3A_744 = arith.select %xor3A_743, %select_n3A_700, %gather3A_727 : vector<16xi1>, vector<16xf32>
              %select_n3A_745 = arith.select %xor3A_743, %select_n3A_701, %gather3A_737 : vector<16xi1>, vector<16xi32>
              %and3A_746 = arith.constant 1 : i32
              %and3A_747 = vector.broadcast %and3A_746 : i32 to vector<16xi32>
              %and3A_748 = arith.andi %iota3A, %and3A_747 : vector<16xi32>
              %ne3A_749 = arith.constant 0 : i32
              %ne3A_750 = vector.broadcast %ne3A_749 : i32 to vector<16xi32>
              %ne3A_751 = arith.cmpi ne, %and3A_748, %ne3A_750 : vector<16xi32>
              %and3A_752 = arith.constant 8 : i32
              %and3A_753 = vector.broadcast %and3A_752 : i32 to vector<16xi32>
              %and3A_754 = arith.andi %iota3A, %and3A_753 : vector<16xi32>
              %eq3A_755 = arith.constant 0 : i32
              %eq3A_756 = vector.broadcast %eq3A_755 : i32 to vector<16xi32>
              %eq3A_757 = arith.cmpi eq, %and3A_754, %eq3A_756 : vector<16xi32>
              %xor3A_758 = arith.xori %ne3A_751, %eq3A_757 : vector<16xi1>
              %xor3A_759 = arith.constant 1 : i32
              %xor3A_760 = vector.broadcast %xor3A_759 : i32 to vector<16xi32>
              %xor3A_761 = arith.xori %iota3A, %xor3A_760 : vector<16xi32>
              %lt3A_762 = arith.constant 0 : i32
              %lt3A_763 = vector.broadcast %lt3A_762 : i32 to vector<16xi32>
              %lt3A_764 = arith.cmpi slt, %xor3A_761, %lt3A_763 : vector<16xi32>
              %add3A_765 = arith.constant 16 : i32
              %add3A_766 = vector.broadcast %add3A_765 : i32 to vector<16xi32>
              %add3A_767 = arith.addi %xor3A_761, %add3A_766 : vector<16xi32>
              %select_n3A_768 = arith.select %lt3A_764, %add3A_767, %xor3A_761 : vector<16xi1>, vector<16xi32>
              %reshape3A_769 = vector.shape_cast %select_n3A_768 : vector<16xi32> to vector<16x1xi32>
              %gather3A_770 = vector.shape_cast %reshape3A_769 : vector<16x1xi32> to vector<16xi32>
              %gather3A_771 = tpu.dynamic_gather %select_n3A_744[%gather3A_770] in [0] : vector<16xf32>, vector<16xi32> -> vector<16xf32>
              %lt3A_772 = arith.constant 0 : i32
              %lt3A_773 = vector.broadcast %lt3A_772 : i32 to vector<16xi32>
              %lt3A_774 = arith.cmpi slt, %xor3A_761, %lt3A_773 : vector<16xi32>
              %add3A_775 = arith.constant 16 : i32
              %add3A_776 = vector.broadcast %add3A_775 : i32 to vector<16xi32>
              %add3A_777 = arith.addi %xor3A_761, %add3A_776 : vector<16xi32>
              %select_n3A_778 = arith.select %lt3A_774, %add3A_777, %xor3A_761 : vector<16xi1>, vector<16xi32>
              %reshape3A_779 = vector.shape_cast %select_n3A_778 : vector<16xi32> to vector<16x1xi32>
              %gather3A_780 = vector.shape_cast %reshape3A_779 : vector<16x1xi32> to vector<16xi32>
              %gather3A_781 = tpu.dynamic_gather %select_n3A_745[%gather3A_780] in [0] : vector<16xi32>, vector<16xi32> -> vector<16xi32>
              %gt3A_782 = arith.cmpf ogt, %select_n3A_744, %gather3A_771 : vector<16xf32>
              %eq3A_783 = arith.cmpf oeq, %select_n3A_744, %gather3A_771 : vector<16xf32>
              %lt3A_784 = arith.cmpi slt, %select_n3A_745, %gather3A_781 : vector<16xi32>
              %and3A_785 = arith.andi %eq3A_783, %lt3A_784 : vector<16xi1>
              %or3A_786 = arith.ori %gt3A_782, %and3A_785 : vector<16xi1>
              %xor3A_787 = arith.xori %or3A_786, %xor3A_758 : vector<16xi1>
              %select_n3A_788 = arith.select %xor3A_787, %select_n3A_744, %gather3A_771 : vector<16xi1>, vector<16xf32>
              %select_n3A_789 = arith.select %xor3A_787, %select_n3A_745, %gather3A_781 : vector<16xi1>, vector<16xi32>
              %and3A_790 = arith.constant 8 : i32
              %and3A_791 = vector.broadcast %and3A_790 : i32 to vector<16xi32>
              %and3A_792 = arith.andi %iota3A, %and3A_791 : vector<16xi32>
              %ne3A_793 = arith.constant 0 : i32
              %ne3A_794 = vector.broadcast %ne3A_793 : i32 to vector<16xi32>
              %ne3A_795 = arith.cmpi ne, %and3A_792, %ne3A_794 : vector<16xi32>
              %and3A_796 = arith.constant 8 : i32
              %and3A_797 = vector.broadcast %and3A_796 : i32 to vector<16xi32>
              %and3A_798 = arith.andi %iota3A, %and3A_797 : vector<16xi32>
              %eq3A_799 = arith.constant 0 : i32
              %eq3A_800 = vector.broadcast %eq3A_799 : i32 to vector<16xi32>
              %eq3A_801 = arith.cmpi eq, %and3A_798, %eq3A_800 : vector<16xi32>
              %xor3A_802 = arith.constant 8 : i32
              %xor3A_803 = vector.broadcast %xor3A_802 : i32 to vector<16xi32>
              %xor3A_804 = arith.xori %iota3A, %xor3A_803 : vector<16xi32>
              %lt3A_805 = arith.constant 0 : i32
              %lt3A_806 = vector.broadcast %lt3A_805 : i32 to vector<16xi32>
              %lt3A_807 = arith.cmpi slt, %xor3A_804, %lt3A_806 : vector<16xi32>
              %add3A_808 = arith.constant 16 : i32
              %add3A_809 = vector.broadcast %add3A_808 : i32 to vector<16xi32>
              %add3A_810 = arith.addi %xor3A_804, %add3A_809 : vector<16xi32>
              %select_n3A_811 = arith.select %lt3A_807, %add3A_810, %xor3A_804 : vector<16xi1>, vector<16xi32>
              %reshape3A_812 = vector.shape_cast %select_n3A_811 : vector<16xi32> to vector<16x1xi32>
              %gather3A_813 = vector.shape_cast %reshape3A_812 : vector<16x1xi32> to vector<16xi32>
              %gather3A_814 = tpu.dynamic_gather %select_n3A_788[%gather3A_813] in [0] : vector<16xf32>, vector<16xi32> -> vector<16xf32>
              %lt3A_815 = arith.constant 0 : i32
              %lt3A_816 = vector.broadcast %lt3A_815 : i32 to vector<16xi32>
              %lt3A_817 = arith.cmpi slt, %xor3A_804, %lt3A_816 : vector<16xi32>
              %add3A_818 = arith.constant 16 : i32
              %add3A_819 = vector.broadcast %add3A_818 : i32 to vector<16xi32>
              %add3A_820 = arith.addi %xor3A_804, %add3A_819 : vector<16xi32>
              %select_n3A_821 = arith.select %lt3A_817, %add3A_820, %xor3A_804 : vector<16xi1>, vector<16xi32>
              %reshape3A_822 = vector.shape_cast %select_n3A_821 : vector<16xi32> to vector<16x1xi32>
              %gather3A_823 = vector.shape_cast %reshape3A_822 : vector<16x1xi32> to vector<16xi32>
              %gather3A_824 = tpu.dynamic_gather %select_n3A_789[%gather3A_823] in [0] : vector<16xi32>, vector<16xi32> -> vector<16xi32>
              %gt3A_825 = arith.cmpf ogt, %select_n3A_788, %gather3A_814 : vector<16xf32>
              %eq3A_826 = arith.cmpf oeq, %select_n3A_788, %gather3A_814 : vector<16xf32>
              %lt3A_827 = arith.cmpi slt, %select_n3A_789, %gather3A_824 : vector<16xi32>
              %and3A_828 = arith.andi %eq3A_826, %lt3A_827 : vector<16xi1>
              %or3A_829 = arith.ori %gt3A_825, %and3A_828 : vector<16xi1>
              %xor3A_830 = arith.xori %or3A_829, %eq3A_801 : vector<16xi1>
              %select_n3A_831 = arith.select %xor3A_830, %select_n3A_788, %gather3A_814 : vector<16xi1>, vector<16xf32>
              %select_n3A_832 = arith.select %xor3A_830, %select_n3A_789, %gather3A_824 : vector<16xi1>, vector<16xi32>
              %and3A_833 = arith.constant 4 : i32
              %and3A_834 = vector.broadcast %and3A_833 : i32 to vector<16xi32>
              %and3A_835 = arith.andi %iota3A, %and3A_834 : vector<16xi32>
              %ne3A_836 = arith.constant 0 : i32
              %ne3A_837 = vector.broadcast %ne3A_836 : i32 to vector<16xi32>
              %ne3A_838 = arith.cmpi ne, %and3A_835, %ne3A_837 : vector<16xi32>
              %and3A_839 = arith.constant 4 : i32
              %and3A_840 = vector.broadcast %and3A_839 : i32 to vector<16xi32>
              %and3A_841 = arith.andi %iota3A, %and3A_840 : vector<16xi32>
              %eq3A_842 = arith.constant 0 : i32
              %eq3A_843 = vector.broadcast %eq3A_842 : i32 to vector<16xi32>
              %eq3A_844 = arith.cmpi eq, %and3A_841, %eq3A_843 : vector<16xi32>
              %xor3A_845 = arith.constant 4 : i32
              %xor3A_846 = vector.broadcast %xor3A_845 : i32 to vector<16xi32>
              %xor3A_847 = arith.xori %iota3A, %xor3A_846 : vector<16xi32>
              %lt3A_848 = arith.constant 0 : i32
              %lt3A_849 = vector.broadcast %lt3A_848 : i32 to vector<16xi32>
              %lt3A_850 = arith.cmpi slt, %xor3A_847, %lt3A_849 : vector<16xi32>
              %add3A_851 = arith.constant 16 : i32
              %add3A_852 = vector.broadcast %add3A_851 : i32 to vector<16xi32>
              %add3A_853 = arith.addi %xor3A_847, %add3A_852 : vector<16xi32>
              %select_n3A_854 = arith.select %lt3A_850, %add3A_853, %xor3A_847 : vector<16xi1>, vector<16xi32>
              %reshape3A_855 = vector.shape_cast %select_n3A_854 : vector<16xi32> to vector<16x1xi32>
              %gather3A_856 = vector.shape_cast %reshape3A_855 : vector<16x1xi32> to vector<16xi32>
              %gather3A_857 = tpu.dynamic_gather %select_n3A_831[%gather3A_856] in [0] : vector<16xf32>, vector<16xi32> -> vector<16xf32>
              %lt3A_858 = arith.constant 0 : i32
              %lt3A_859 = vector.broadcast %lt3A_858 : i32 to vector<16xi32>
              %lt3A_860 = arith.cmpi slt, %xor3A_847, %lt3A_859 : vector<16xi32>
              %add3A_861 = arith.constant 16 : i32
              %add3A_862 = vector.broadcast %add3A_861 : i32 to vector<16xi32>
              %add3A_863 = arith.addi %xor3A_847, %add3A_862 : vector<16xi32>
              %select_n3A_864 = arith.select %lt3A_860, %add3A_863, %xor3A_847 : vector<16xi1>, vector<16xi32>
              %reshape3A_865 = vector.shape_cast %select_n3A_864 : vector<16xi32> to vector<16x1xi32>
              %gather3A_866 = vector.shape_cast %reshape3A_865 : vector<16x1xi32> to vector<16xi32>
              %gather3A_867 = tpu.dynamic_gather %select_n3A_832[%gather3A_866] in [0] : vector<16xi32>, vector<16xi32> -> vector<16xi32>
              %gt3A_868 = arith.cmpf ogt, %select_n3A_831, %gather3A_857 : vector<16xf32>
              %eq3A_869 = arith.cmpf oeq, %select_n3A_831, %gather3A_857 : vector<16xf32>
              %lt3A_870 = arith.cmpi slt, %select_n3A_832, %gather3A_867 : vector<16xi32>
              %and3A_871 = arith.andi %eq3A_869, %lt3A_870 : vector<16xi1>
              %or3A_872 = arith.ori %gt3A_868, %and3A_871 : vector<16xi1>
              %xor3A_873 = arith.xori %or3A_872, %eq3A_844 : vector<16xi1>
              %select_n3A_874 = arith.select %xor3A_873, %select_n3A_831, %gather3A_857 : vector<16xi1>, vector<16xf32>
              %select_n3A_875 = arith.select %xor3A_873, %select_n3A_832, %gather3A_867 : vector<16xi1>, vector<16xi32>
              %and3A_876 = arith.constant 2 : i32
              %and3A_877 = vector.broadcast %and3A_876 : i32 to vector<16xi32>
              %and3A_878 = arith.andi %iota3A, %and3A_877 : vector<16xi32>
              %ne3A_879 = arith.constant 0 : i32
              %ne3A_880 = vector.broadcast %ne3A_879 : i32 to vector<16xi32>
              %ne3A_881 = arith.cmpi ne, %and3A_878, %ne3A_880 : vector<16xi32>
              %and3A_882 = arith.constant 2 : i32
              %and3A_883 = vector.broadcast %and3A_882 : i32 to vector<16xi32>
              %and3A_884 = arith.andi %iota3A, %and3A_883 : vector<16xi32>
              %eq3A_885 = arith.constant 0 : i32
              %eq3A_886 = vector.broadcast %eq3A_885 : i32 to vector<16xi32>
              %eq3A_887 = arith.cmpi eq, %and3A_884, %eq3A_886 : vector<16xi32>
              %xor3A_888 = arith.constant 2 : i32
              %xor3A_889 = vector.broadcast %xor3A_888 : i32 to vector<16xi32>
              %xor3A_890 = arith.xori %iota3A, %xor3A_889 : vector<16xi32>
              %lt3A_891 = arith.constant 0 : i32
              %lt3A_892 = vector.broadcast %lt3A_891 : i32 to vector<16xi32>
              %lt3A_893 = arith.cmpi slt, %xor3A_890, %lt3A_892 : vector<16xi32>
              %add3A_894 = arith.constant 16 : i32
              %add3A_895 = vector.broadcast %add3A_894 : i32 to vector<16xi32>
              %add3A_896 = arith.addi %xor3A_890, %add3A_895 : vector<16xi32>
              %select_n3A_897 = arith.select %lt3A_893, %add3A_896, %xor3A_890 : vector<16xi1>, vector<16xi32>
              %reshape3A_898 = vector.shape_cast %select_n3A_897 : vector<16xi32> to vector<16x1xi32>
              %gather3A_899 = vector.shape_cast %reshape3A_898 : vector<16x1xi32> to vector<16xi32>
              %gather3A_900 = tpu.dynamic_gather %select_n3A_874[%gather3A_899] in [0] : vector<16xf32>, vector<16xi32> -> vector<16xf32>
              %lt3A_901 = arith.constant 0 : i32
              %lt3A_902 = vector.broadcast %lt3A_901 : i32 to vector<16xi32>
              %lt3A_903 = arith.cmpi slt, %xor3A_890, %lt3A_902 : vector<16xi32>
              %add3A_904 = arith.constant 16 : i32
              %add3A_905 = vector.broadcast %add3A_904 : i32 to vector<16xi32>
              %add3A_906 = arith.addi %xor3A_890, %add3A_905 : vector<16xi32>
              %select_n3A_907 = arith.select %lt3A_903, %add3A_906, %xor3A_890 : vector<16xi1>, vector<16xi32>
              %reshape3A_908 = vector.shape_cast %select_n3A_907 : vector<16xi32> to vector<16x1xi32>
              %gather3A_909 = vector.shape_cast %reshape3A_908 : vector<16x1xi32> to vector<16xi32>
              %gather3A_910 = tpu.dynamic_gather %select_n3A_875[%gather3A_909] in [0] : vector<16xi32>, vector<16xi32> -> vector<16xi32>
              %gt3A_911 = arith.cmpf ogt, %select_n3A_874, %gather3A_900 : vector<16xf32>
              %eq3A_912 = arith.cmpf oeq, %select_n3A_874, %gather3A_900 : vector<16xf32>
              %lt3A_913 = arith.cmpi slt, %select_n3A_875, %gather3A_910 : vector<16xi32>
              %and3A_914 = arith.andi %eq3A_912, %lt3A_913 : vector<16xi1>
              %or3A_915 = arith.ori %gt3A_911, %and3A_914 : vector<16xi1>
              %xor3A_916 = arith.xori %or3A_915, %eq3A_887 : vector<16xi1>
              %select_n3A_917 = arith.select %xor3A_916, %select_n3A_874, %gather3A_900 : vector<16xi1>, vector<16xf32>
              %select_n3A_918 = arith.select %xor3A_916, %select_n3A_875, %gather3A_910 : vector<16xi1>, vector<16xi32>
              %and3A_919 = arith.constant 1 : i32
              %and3A_920 = vector.broadcast %and3A_919 : i32 to vector<16xi32>
              %and3A_921 = arith.andi %iota3A, %and3A_920 : vector<16xi32>
              %ne3A_922 = arith.constant 0 : i32
              %ne3A_923 = vector.broadcast %ne3A_922 : i32 to vector<16xi32>
              %ne3A_924 = arith.cmpi ne, %and3A_921, %ne3A_923 : vector<16xi32>
              %and3A_925 = arith.constant 1 : i32
              %and3A_926 = vector.broadcast %and3A_925 : i32 to vector<16xi32>
              %and3A_927 = arith.andi %iota3A, %and3A_926 : vector<16xi32>
              %eq3A_928 = arith.constant 0 : i32
              %eq3A_929 = vector.broadcast %eq3A_928 : i32 to vector<16xi32>
              %eq3A_930 = arith.cmpi eq, %and3A_927, %eq3A_929 : vector<16xi32>
              %xor3A_931 = arith.constant 1 : i32
              %xor3A_932 = vector.broadcast %xor3A_931 : i32 to vector<16xi32>
              %xor3A_933 = arith.xori %iota3A, %xor3A_932 : vector<16xi32>
              %lt3A_934 = arith.constant 0 : i32
              %lt3A_935 = vector.broadcast %lt3A_934 : i32 to vector<16xi32>
              %lt3A_936 = arith.cmpi slt, %xor3A_933, %lt3A_935 : vector<16xi32>
              %add3A_937 = arith.constant 16 : i32
              %add3A_938 = vector.broadcast %add3A_937 : i32 to vector<16xi32>
              %add3A_939 = arith.addi %xor3A_933, %add3A_938 : vector<16xi32>
              %select_n3A_940 = arith.select %lt3A_936, %add3A_939, %xor3A_933 : vector<16xi1>, vector<16xi32>
              %reshape3A_941 = vector.shape_cast %select_n3A_940 : vector<16xi32> to vector<16x1xi32>
              %gather3A_942 = vector.shape_cast %reshape3A_941 : vector<16x1xi32> to vector<16xi32>
              %gather3A_943 = tpu.dynamic_gather %select_n3A_917[%gather3A_942] in [0] : vector<16xf32>, vector<16xi32> -> vector<16xf32>
              %lt3A_944 = arith.constant 0 : i32
              %lt3A_945 = vector.broadcast %lt3A_944 : i32 to vector<16xi32>
              %lt3A_946 = arith.cmpi slt, %xor3A_933, %lt3A_945 : vector<16xi32>
              %add3A_947 = arith.constant 16 : i32
              %add3A_948 = vector.broadcast %add3A_947 : i32 to vector<16xi32>
              %add3A_949 = arith.addi %xor3A_933, %add3A_948 : vector<16xi32>
              %select_n3A_950 = arith.select %lt3A_946, %add3A_949, %xor3A_933 : vector<16xi1>, vector<16xi32>
              %reshape3A_951 = vector.shape_cast %select_n3A_950 : vector<16xi32> to vector<16x1xi32>
              %gather3A_952 = vector.shape_cast %reshape3A_951 : vector<16x1xi32> to vector<16xi32>
              %gather3A_953 = tpu.dynamic_gather %select_n3A_918[%gather3A_952] in [0] : vector<16xi32>, vector<16xi32> -> vector<16xi32>
              %gt3A_954 = arith.cmpf ogt, %select_n3A_917, %gather3A_943 : vector<16xf32>
              %eq3A_955 = arith.cmpf oeq, %select_n3A_917, %gather3A_943 : vector<16xf32>
              %lt3A_956 = arith.cmpi slt, %select_n3A_918, %gather3A_953 : vector<16xi32>
              %and3A_957 = arith.andi %eq3A_955, %lt3A_956 : vector<16xi1>
              %or3A_958 = arith.ori %gt3A_954, %and3A_957 : vector<16xi1>
              %xor3A_959 = arith.xori %or3A_958, %eq3A_930 : vector<16xi1>
              %select_n3A_960 = arith.select %xor3A_959, %select_n3A_917, %gather3A_943 : vector<16xi1>, vector<16xf32>
              %select_n3A_961 = arith.select %xor3A_959, %select_n3A_918, %gather3A_953 : vector<16xi1>, vector<16xi32>
              %get3A_962 = arith.constant 0 : index
              %get3A_963 = tpu.vector_load %arg8[%get3A_962] {strides = array<i32>} : memref<16xf32, #tpu.memory_space<vmem>>, vector<16xf32>,
              %get3A_964 = vector.shape_cast %get3A_963 : vector<16xf32> to vector<16xf32>
              %get3A_965 = arith.constant 0 : index
              %get3A_966 = tpu.vector_load %arg7[%get3A_965] {strides = array<i32>} : memref<16xi32, #tpu.memory_space<vmem>>, vector<16xi32>,
              %get3A_967 = vector.shape_cast %get3A_966 : vector<16xi32> to vector<16xi32>
              %gt3A_968 = arith.cmpf ogt, %get3A_964, %select_n3A_960 : vector<16xf32>
              %eq3A_969 = arith.cmpf oeq, %get3A_964, %select_n3A_960 : vector<16xf32>
              %lt3A_970 = arith.cmpi slt, %get3A_967, %select_n3A_961 : vector<16xi32>
              %and3A_971 = arith.andi %eq3A_969, %lt3A_970 : vector<16xi1>
              %or3A_972 = arith.ori %gt3A_968, %and3A_971 : vector<16xi1>
              %select_n3A_973 = arith.select %or3A_972, %get3A_964, %select_n3A_960 : vector<16xi1>, vector<16xf32>
              %select_n3A_974 = arith.select %or3A_972, %get3A_967, %select_n3A_961 : vector<16xi1>, vector<16xi32>
              %and3A_975 = arith.constant 8 : i32
              %and3A_976 = vector.broadcast %and3A_975 : i32 to vector<16xi32>
              %and3A_977 = arith.andi %iota3A, %and3A_976 : vector<16xi32>
              %ne3A_978 = arith.constant 0 : i32
              %ne3A_979 = vector.broadcast %ne3A_978 : i32 to vector<16xi32>
              %ne3A_980 = arith.cmpi ne, %and3A_977, %ne3A_979 : vector<16xi32>
              %xor3A_981 = arith.constant 8 : i32
              %xor3A_982 = vector.broadcast %xor3A_981 : i32 to vector<16xi32>
              %xor3A_983 = arith.xori %iota3A, %xor3A_982 : vector<16xi32>
              %lt3A_984 = arith.constant 0 : i32
              %lt3A_985 = vector.broadcast %lt3A_984 : i32 to vector<16xi32>
              %lt3A_986 = arith.cmpi slt, %xor3A_983, %lt3A_985 : vector<16xi32>
              %add3A_987 = arith.constant 16 : i32
              %add3A_988 = vector.broadcast %add3A_987 : i32 to vector<16xi32>
              %add3A_989 = arith.addi %xor3A_983, %add3A_988 : vector<16xi32>
              %select_n3A_990 = arith.select %lt3A_986, %add3A_989, %xor3A_983 : vector<16xi1>, vector<16xi32>
              %reshape3A_991 = vector.shape_cast %select_n3A_990 : vector<16xi32> to vector<16x1xi32>
              %gather3A_992 = vector.shape_cast %reshape3A_991 : vector<16x1xi32> to vector<16xi32>
              %gather3A_993 = tpu.dynamic_gather %select_n3A_973[%gather3A_992] in [0] : vector<16xf32>, vector<16xi32> -> vector<16xf32>
              %lt3A_994 = arith.constant 0 : i32
              %lt3A_995 = vector.broadcast %lt3A_994 : i32 to vector<16xi32>
              %lt3A_996 = arith.cmpi slt, %xor3A_983, %lt3A_995 : vector<16xi32>
              %add3A_997 = arith.constant 16 : i32
              %add3A_998 = vector.broadcast %add3A_997 : i32 to vector<16xi32>
              %add3A_999 = arith.addi %xor3A_983, %add3A_998 : vector<16xi32>
              %select_n3A_1000 = arith.select %lt3A_996, %add3A_999, %xor3A_983 : vector<16xi1>, vector<16xi32>
              %reshape3A_1001 = vector.shape_cast %select_n3A_1000 : vector<16xi32> to vector<16x1xi32>
              %gather3A_1002 = vector.shape_cast %reshape3A_1001 : vector<16x1xi32> to vector<16xi32>
              %gather3A_1003 = tpu.dynamic_gather %select_n3A_974[%gather3A_1002] in [0] : vector<16xi32>, vector<16xi32> -> vector<16xi32>
              %gt3A_1004 = arith.cmpf ogt, %select_n3A_973, %gather3A_993 : vector<16xf32>
              %eq3A_1005 = arith.cmpf oeq, %select_n3A_973, %gather3A_993 : vector<16xf32>
              %lt3A_1006 = arith.cmpi slt, %select_n3A_974, %gather3A_1003 : vector<16xi32>
              %and3A_1007 = arith.andi %eq3A_1005, %lt3A_1006 : vector<16xi1>
              %or3A_1008 = arith.ori %gt3A_1004, %and3A_1007 : vector<16xi1>
              %xor3A_1009 = arith.xori %or3A_1008, %ne3A_980 : vector<16xi1>
              %select_n3A_1010 = arith.select %xor3A_1009, %select_n3A_973, %gather3A_993 : vector<16xi1>, vector<16xf32>
              %select_n3A_1011 = arith.select %xor3A_1009, %select_n3A_974, %gather3A_1003 : vector<16xi1>, vector<16xi32>
              %and3A_1012 = arith.constant 4 : i32
              %and3A_1013 = vector.broadcast %and3A_1012 : i32 to vector<16xi32>
              %and3A_1014 = arith.andi %iota3A, %and3A_1013 : vector<16xi32>
              %ne3A_1015 = arith.constant 0 : i32
              %ne3A_1016 = vector.broadcast %ne3A_1015 : i32 to vector<16xi32>
              %ne3A_1017 = arith.cmpi ne, %and3A_1014, %ne3A_1016 : vector<16xi32>
              %xor3A_1018 = arith.constant 4 : i32
              %xor3A_1019 = vector.broadcast %xor3A_1018 : i32 to vector<16xi32>
              %xor3A_1020 = arith.xori %iota3A, %xor3A_1019 : vector<16xi32>
              %lt3A_1021 = arith.constant 0 : i32
              %lt3A_1022 = vector.broadcast %lt3A_1021 : i32 to vector<16xi32>
              %lt3A_1023 = arith.cmpi slt, %xor3A_1020, %lt3A_1022 : vector<16xi32>
              %add3A_1024 = arith.constant 16 : i32
              %add3A_1025 = vector.broadcast %add3A_1024 : i32 to vector<16xi32>
              %add3A_1026 = arith.addi %xor3A_1020, %add3A_1025 : vector<16xi32>
              %select_n3A_1027 = arith.select %lt3A_1023, %add3A_1026, %xor3A_1020 : vector<16xi1>, vector<16xi32>
              %reshape3A_1028 = vector.shape_cast %select_n3A_1027 : vector<16xi32> to vector<16x1xi32>
              %gather3A_1029 = vector.shape_cast %reshape3A_1028 : vector<16x1xi32> to vector<16xi32>
              %gather3A_1030 = tpu.dynamic_gather %select_n3A_1010[%gather3A_1029] in [0] : vector<16xf32>, vector<16xi32> -> vector<16xf32>
              %lt3A_1031 = arith.constant 0 : i32
              %lt3A_1032 = vector.broadcast %lt3A_1031 : i32 to vector<16xi32>
              %lt3A_1033 = arith.cmpi slt, %xor3A_1020, %lt3A_1032 : vector<16xi32>
              %add3A_1034 = arith.constant 16 : i32
              %add3A_1035 = vector.broadcast %add3A_1034 : i32 to vector<16xi32>
              %add3A_1036 = arith.addi %xor3A_1020, %add3A_1035 : vector<16xi32>
              %select_n3A_1037 = arith.select %lt3A_1033, %add3A_1036, %xor3A_1020 : vector<16xi1>, vector<16xi32>
              %reshape3A_1038 = vector.shape_cast %select_n3A_1037 : vector<16xi32> to vector<16x1xi32>
              %gather3A_1039 = vector.shape_cast %reshape3A_1038 : vector<16x1xi32> to vector<16xi32>
              %gather3A_1040 = tpu.dynamic_gather %select_n3A_1011[%gather3A_1039] in [0] : vector<16xi32>, vector<16xi32> -> vector<16xi32>
              %gt3A_1041 = arith.cmpf ogt, %select_n3A_1010, %gather3A_1030 : vector<16xf32>
              %eq3A_1042 = arith.cmpf oeq, %select_n3A_1010, %gather3A_1030 : vector<16xf32>
              %lt3A_1043 = arith.cmpi slt, %select_n3A_1011, %gather3A_1040 : vector<16xi32>
              %and3A_1044 = arith.andi %eq3A_1042, %lt3A_1043 : vector<16xi1>
              %or3A_1045 = arith.ori %gt3A_1041, %and3A_1044 : vector<16xi1>
              %xor3A_1046 = arith.xori %or3A_1045, %ne3A_1017 : vector<16xi1>
              %select_n3A_1047 = arith.select %xor3A_1046, %select_n3A_1010, %gather3A_1030 : vector<16xi1>, vector<16xf32>
              %select_n3A_1048 = arith.select %xor3A_1046, %select_n3A_1011, %gather3A_1040 : vector<16xi1>, vector<16xi32>
              %and3A_1049 = arith.constant 2 : i32
              %and3A_1050 = vector.broadcast %and3A_1049 : i32 to vector<16xi32>
              %and3A_1051 = arith.andi %iota3A, %and3A_1050 : vector<16xi32>
              %ne3A_1052 = arith.constant 0 : i32
              %ne3A_1053 = vector.broadcast %ne3A_1052 : i32 to vector<16xi32>
              %ne3A_1054 = arith.cmpi ne, %and3A_1051, %ne3A_1053 : vector<16xi32>
              %xor3A_1055 = arith.constant 2 : i32
              %xor3A_1056 = vector.broadcast %xor3A_1055 : i32 to vector<16xi32>
              %xor3A_1057 = arith.xori %iota3A, %xor3A_1056 : vector<16xi32>
              %lt3A_1058 = arith.constant 0 : i32
              %lt3A_1059 = vector.broadcast %lt3A_1058 : i32 to vector<16xi32>
              %lt3A_1060 = arith.cmpi slt, %xor3A_1057, %lt3A_1059 : vector<16xi32>
              %add3A_1061 = arith.constant 16 : i32
              %add3A_1062 = vector.broadcast %add3A_1061 : i32 to vector<16xi32>
              %add3A_1063 = arith.addi %xor3A_1057, %add3A_1062 : vector<16xi32>
              %select_n3A_1064 = arith.select %lt3A_1060, %add3A_1063, %xor3A_1057 : vector<16xi1>, vector<16xi32>
              %reshape3A_1065 = vector.shape_cast %select_n3A_1064 : vector<16xi32> to vector<16x1xi32>
              %gather3A_1066 = vector.shape_cast %reshape3A_1065 : vector<16x1xi32> to vector<16xi32>
              %gather3A_1067 = tpu.dynamic_gather %select_n3A_1047[%gather3A_1066] in [0] : vector<16xf32>, vector<16xi32> -> vector<16xf32>
              %lt3A_1068 = arith.constant 0 : i32
              %lt3A_1069 = vector.broadcast %lt3A_1068 : i32 to vector<16xi32>
              %lt3A_1070 = arith.cmpi slt, %xor3A_1057, %lt3A_1069 : vector<16xi32>
              %add3A_1071 = arith.constant 16 : i32
              %add3A_1072 = vector.broadcast %add3A_1071 : i32 to vector<16xi32>
              %add3A_1073 = arith.addi %xor3A_1057, %add3A_1072 : vector<16xi32>
              %select_n3A_1074 = arith.select %lt3A_1070, %add3A_1073, %xor3A_1057 : vector<16xi1>, vector<16xi32>
              %reshape3A_1075 = vector.shape_cast %select_n3A_1074 : vector<16xi32> to vector<16x1xi32>
              %gather3A_1076 = vector.shape_cast %reshape3A_1075 : vector<16x1xi32> to vector<16xi32>
              %gather3A_1077 = tpu.dynamic_gather %select_n3A_1048[%gather3A_1076] in [0] : vector<16xi32>, vector<16xi32> -> vector<16xi32>
              %gt3A_1078 = arith.cmpf ogt, %select_n3A_1047, %gather3A_1067 : vector<16xf32>
              %eq3A_1079 = arith.cmpf oeq, %select_n3A_1047, %gather3A_1067 : vector<16xf32>
              %lt3A_1080 = arith.cmpi slt, %select_n3A_1048, %gather3A_1077 : vector<16xi32>
              %and3A_1081 = arith.andi %eq3A_1079, %lt3A_1080 : vector<16xi1>
              %or3A_1082 = arith.ori %gt3A_1078, %and3A_1081 : vector<16xi1>
              %xor3A_1083 = arith.xori %or3A_1082, %ne3A_1054 : vector<16xi1>
              %select_n3A_1084 = arith.select %xor3A_1083, %select_n3A_1047, %gather3A_1067 : vector<16xi1>, vector<16xf32>
              %select_n3A_1085 = arith.select %xor3A_1083, %select_n3A_1048, %gather3A_1077 : vector<16xi1>, vector<16xi32>
              %and3A_1086 = arith.constant 1 : i32
              %and3A_1087 = vector.broadcast %and3A_1086 : i32 to vector<16xi32>
              %and3A_1088 = arith.andi %iota3A, %and3A_1087 : vector<16xi32>
              %ne3A_1089 = arith.constant 0 : i32
              %ne3A_1090 = vector.broadcast %ne3A_1089 : i32 to vector<16xi32>
              %ne3A_1091 = arith.cmpi ne, %and3A_1088, %ne3A_1090 : vector<16xi32>
              %xor3A_1092 = arith.constant 1 : i32
              %xor3A_1093 = vector.broadcast %xor3A_1092 : i32 to vector<16xi32>
              %xor3A_1094 = arith.xori %iota3A, %xor3A_1093 : vector<16xi32>
              %lt3A_1095 = arith.constant 0 : i32
              %lt3A_1096 = vector.broadcast %lt3A_1095 : i32 to vector<16xi32>
              %lt3A_1097 = arith.cmpi slt, %xor3A_1094, %lt3A_1096 : vector<16xi32>
              %add3A_1098 = arith.constant 16 : i32
              %add3A_1099 = vector.broadcast %add3A_1098 : i32 to vector<16xi32>
              %add3A_1100 = arith.addi %xor3A_1094, %add3A_1099 : vector<16xi32>
              %select_n3A_1101 = arith.select %lt3A_1097, %add3A_1100, %xor3A_1094 : vector<16xi1>, vector<16xi32>
              %reshape3A_1102 = vector.shape_cast %select_n3A_1101 : vector<16xi32> to vector<16x1xi32>
              %gather3A_1103 = vector.shape_cast %reshape3A_1102 : vector<16x1xi32> to vector<16xi32>
              %gather3A_1104 = tpu.dynamic_gather %select_n3A_1084[%gather3A_1103] in [0] : vector<16xf32>, vector<16xi32> -> vector<16xf32>
              %lt3A_1105 = arith.constant 0 : i32
              %lt3A_1106 = vector.broadcast %lt3A_1105 : i32 to vector<16xi32>
              %lt3A_1107 = arith.cmpi slt, %xor3A_1094, %lt3A_1106 : vector<16xi32>
              %add3A_1108 = arith.constant 16 : i32
              %add3A_1109 = vector.broadcast %add3A_1108 : i32 to vector<16xi32>
              %add3A_1110 = arith.addi %xor3A_1094, %add3A_1109 : vector<16xi32>
              %select_n3A_1111 = arith.select %lt3A_1107, %add3A_1110, %xor3A_1094 : vector<16xi1>, vector<16xi32>
              %reshape3A_1112 = vector.shape_cast %select_n3A_1111 : vector<16xi32> to vector<16x1xi32>
              %gather3A_1113 = vector.shape_cast %reshape3A_1112 : vector<16x1xi32> to vector<16xi32>
              %gather3A_1114 = tpu.dynamic_gather %select_n3A_1085[%gather3A_1113] in [0] : vector<16xi32>, vector<16xi32> -> vector<16xi32>
              %gt3A_1115 = arith.cmpf ogt, %select_n3A_1084, %gather3A_1104 : vector<16xf32>
              %eq3A_1116 = arith.cmpf oeq, %select_n3A_1084, %gather3A_1104 : vector<16xf32>
              %lt3A_1117 = arith.cmpi slt, %select_n3A_1085, %gather3A_1114 : vector<16xi32>
              %and3A_1118 = arith.andi %eq3A_1116, %lt3A_1117 : vector<16xi1>
              %or3A_1119 = arith.ori %gt3A_1115, %and3A_1118 : vector<16xi1>
              %xor3A_1120 = arith.xori %or3A_1119, %ne3A_1091 : vector<16xi1>
              %select_n3A_1121 = arith.select %xor3A_1120, %select_n3A_1084, %gather3A_1104 : vector<16xi1>, vector<16xf32>
              %select_n3A_1122 = arith.select %xor3A_1120, %select_n3A_1085, %gather3A_1114 : vector<16xi1>, vector<16xi32>
              %swap3A_1123 = arith.constant 0 : index
              %swap3A_1124 = tpu.vector_load %arg8[%swap3A_1123] {strides = array<i32>} : memref<16xf32, #tpu.memory_space<vmem>>, vector<16xf32>,
              %swap3A_1125 = vector.shape_cast %swap3A_1124 : vector<16xf32> to vector<16xf32>
              %swap3A_1126 = vector.shape_cast %select_n3A_1121 : vector<16xf32> to vector<16xf32>
              tpu.vector_store %arg8[%swap3A_1123], %swap3A_1126 {strides = array<i32>} : memref<16xf32, #tpu.memory_space<vmem>>, vector<16xf32>,
              %swap3A_1127 = arith.constant 0 : index
              %swap3A_1128 = tpu.vector_load %arg7[%swap3A_1127] {strides = array<i32>} : memref<16xi32, #tpu.memory_space<vmem>>, vector<16xi32>,
              %swap3A_1129 = vector.shape_cast %swap3A_1128 : vector<16xi32> to vector<16xi32>
              %swap3A_1130 = vector.shape_cast %select_n3A_1122 : vector<16xi32> to vector<16xi32>
              tpu.vector_store %arg7[%swap3A_1127], %swap3A_1130 {strides = array<i32>} : memref<16xi32, #tpu.memory_space<vmem>>, vector<16xi32>,
              %slice3A_1131 = vector.extract_strided_slice %select_n3A_1121 {offsets = [7], sizes = [1], strides = [1]} : vector<16xf32> to vector<1xf32>
              %squeeze3A_1132 = vector.extract %slice3A_1131[0] : f32 from vector<1xf32>
              scf.yield %squeeze3A_1132 : f32
            } else {
              scf.yield %scan3A_447 : f32
            }
            scf.yield %cond3A_518 : f32
          }
          %scan3A_445 = arith.constant 16 : i32
          scf.yield %scan3A_444 : f32
        } else {
          scf.yield %scan3A_253 : f32
        }
        scf.yield %cond3A_439 : f32
      }
      %scan3A_18 = arith.constant 32 : i32
      %get3A = arith.constant 0 : index
      %get3A_19 = tpu.vector_load %arg8[%get3A] {strides = array<i32>} : memref<16xf32, #tpu.memory_space<vmem>>, vector<16xf32>,
      %get3A_20 = vector.shape_cast %get3A_19 : vector<16xf32> to vector<16xf32>
      %get3A_21 = arith.constant 0 : index
      %get3A_22 = tpu.vector_load %arg7[%get3A_21] {strides = array<i32>} : memref<16xi32, #tpu.memory_space<vmem>>, vector<16xi32>,
      %get3A_23 = vector.shape_cast %get3A_22 : vector<16xi32> to vector<16xi32>
      %lt3A_24 = arith.constant 8 : i32
      %lt3A_25 = vector.broadcast %lt3A_24 : i32 to vector<16xi32>
      %lt3A_26 = arith.cmpi slt, %iota3A, %lt3A_25 : vector<16xi32>
      %slice3A = vector.extract_strided_slice %get3A_20 {offsets = [0], sizes = [1], strides = [1]} : vector<16xf32> to vector<1xf32>
      %squeeze3A = vector.extract %slice3A[0] : f32 from vector<1xf32>
      %sub3A = vector.broadcast %squeeze3A : f32 to vector<16xf32>
      %sub3A_27 = arith.subf %get3A_20, %sub3A : vector<16xf32>
      %exp3A = math.exp %sub3A_27 : vector<16xf32>
      %jit3A = arith.constant 0.000000e+00 : f32
      %broadcast_in_dim3A_28 = vector.broadcast %jit3A : f32 to vector<16xf32>
      %select_n3A = arith.select %lt3A_26, %exp3A, %broadcast_in_dim3A_28 : vector<16xi1>, vector<16xf32>
      %xor3A = arith.constant 1 : i32
      %xor3A_29 = vector.broadcast %xor3A : i32 to vector<16xi32>
      %xor3A_30 = arith.xori %iota3A, %xor3A_29 : vector<16xi32>
      %lt3A_31 = arith.constant 0 : i32
      %lt3A_32 = vector.broadcast %lt3A_31 : i32 to vector<16xi32>
      %lt3A_33 = arith.cmpi slt, %xor3A_30, %lt3A_32 : vector<16xi32>
      %add3A_34 = arith.constant 16 : i32
      %add3A_35 = vector.broadcast %add3A_34 : i32 to vector<16xi32>
      %add3A_36 = arith.addi %xor3A_30, %add3A_35 : vector<16xi32>
      %select_n3A_37 = arith.select %lt3A_33, %add3A_36, %xor3A_30 : vector<16xi1>, vector<16xi32>
      %reshape3A = vector.shape_cast %select_n3A_37 : vector<16xi32> to vector<16x1xi32>
      %gather3A = vector.shape_cast %reshape3A : vector<16x1xi32> to vector<16xi32>
      %gather3A_38 = tpu.dynamic_gather %select_n3A[%gather3A] in [0] : vector<16xf32>, vector<16xi32> -> vector<16xf32>
      %add3A_39 = arith.addf %select_n3A, %gather3A_38 : vector<16xf32>
      %xor3A_40 = arith.constant 2 : i32
      %xor3A_41 = vector.broadcast %xor3A_40 : i32 to vector<16xi32>
      %xor3A_42 = arith.xori %iota3A, %xor3A_41 : vector<16xi32>
      %lt3A_43 = arith.constant 0 : i32
      %lt3A_44 = vector.broadcast %lt3A_43 : i32 to vector<16xi32>
      %lt3A_45 = arith.cmpi slt, %xor3A_42, %lt3A_44 : vector<16xi32>
      %add3A_46 = arith.constant 16 : i32
      %add3A_47 = vector.broadcast %add3A_46 : i32 to vector<16xi32>
      %add3A_48 = arith.addi %xor3A_42, %add3A_47 : vector<16xi32>
      %select_n3A_49 = arith.select %lt3A_45, %add3A_48, %xor3A_42 : vector<16xi1>, vector<16xi32>
      %reshape3A_50 = vector.shape_cast %select_n3A_49 : vector<16xi32> to vector<16x1xi32>
      %gather3A_51 = vector.shape_cast %reshape3A_50 : vector<16x1xi32> to vector<16xi32>
      %gather3A_52 = tpu.dynamic_gather %add3A_39[%gather3A_51] in [0] : vector<16xf32>, vector<16xi32> -> vector<16xf32>
      %add3A_53 = arith.addf %add3A_39, %gather3A_52 : vector<16xf32>
      %xor3A_54 = arith.constant 4 : i32
      %xor3A_55 = vector.broadcast %xor3A_54 : i32 to vector<16xi32>
      %xor3A_56 = arith.xori %iota3A, %xor3A_55 : vector<16xi32>
      %lt3A_57 = arith.constant 0 : i32
      %lt3A_58 = vector.broadcast %lt3A_57 : i32 to vector<16xi32>
      %lt3A_59 = arith.cmpi slt, %xor3A_56, %lt3A_58 : vector<16xi32>
      %add3A_60 = arith.constant 16 : i32
      %add3A_61 = vector.broadcast %add3A_60 : i32 to vector<16xi32>
      %add3A_62 = arith.addi %xor3A_56, %add3A_61 : vector<16xi32>
      %select_n3A_63 = arith.select %lt3A_59, %add3A_62, %xor3A_56 : vector<16xi1>, vector<16xi32>
      %reshape3A_64 = vector.shape_cast %select_n3A_63 : vector<16xi32> to vector<16x1xi32>
      %gather3A_65 = vector.shape_cast %reshape3A_64 : vector<16x1xi32> to vector<16xi32>
      %gather3A_66 = tpu.dynamic_gather %add3A_53[%gather3A_65] in [0] : vector<16xf32>, vector<16xi32> -> vector<16xf32>
      %add3A_67 = arith.addf %add3A_53, %gather3A_66 : vector<16xf32>
      %xor3A_68 = arith.constant 8 : i32
      %xor3A_69 = vector.broadcast %xor3A_68 : i32 to vector<16xi32>
      %xor3A_70 = arith.xori %iota3A, %xor3A_69 : vector<16xi32>
      %lt3A_71 = arith.constant 0 : i32
      %lt3A_72 = vector.broadcast %lt3A_71 : i32 to vector<16xi32>
      %lt3A_73 = arith.cmpi slt, %xor3A_70, %lt3A_72 : vector<16xi32>
      %add3A_74 = arith.constant 16 : i32
      %add3A_75 = vector.broadcast %add3A_74 : i32 to vector<16xi32>
      %add3A_76 = arith.addi %xor3A_70, %add3A_75 : vector<16xi32>
      %select_n3A_77 = arith.select %lt3A_73, %add3A_76, %xor3A_70 : vector<16xi1>, vector<16xi32>
      %reshape3A_78 = vector.shape_cast %select_n3A_77 : vector<16xi32> to vector<16x1xi32>
      %gather3A_79 = vector.shape_cast %reshape3A_78 : vector<16x1xi32> to vector<16xi32>
      %gather3A_80 = tpu.dynamic_gather %add3A_67[%gather3A_79] in [0] : vector<16xf32>, vector<16xi32> -> vector<16xf32>
      %add3A_81 = arith.addf %add3A_67, %gather3A_80 : vector<16xf32>
      %div3A = arith.divf %select_n3A, %add3A_81 : vector<16xf32>
      %scan3A_82 = arith.constant 0 : i32
      %scan3A_83 = arith.constant 0 : i32
      %scan3A_84 = arith.constant 64 : i32
      %scan3A_85 = arith.addi %scan3A_83, %scan3A_84 : i32
      %scan3A_86 = arith.constant 1 : i32
      scf.for %scan3A_252 = %scan3A_83 to %scan3A_85 step %scan3A_86  : i32 {
        %broadcast_in_dim3A_253 = arith.constant 0.000000e+00 : f32
        %broadcast_in_dim3A_254 = vector.broadcast %broadcast_in_dim3A_253 : f32 to vector<16xf32>
        %mul3A_255 = arith.constant 8 : i32
        %mul3A_256 = arith.muli %scan3A_252, %mul3A_255 : i32
        %mul3A_257 = arith.constant 16 : i32
        %mul3A_258 = arith.muli %mul3A_256, %mul3A_257 : i32
        %add3A_259 = arith.constant 0 : i32
        %add3A_260 = arith.addi %mul3A_258, %add3A_259 : i32
        %swap3A_261 = arith.index_cast %add3A_260 : i32 to index
        %swap3A_262 = tpu.vector_load %arg6[%swap3A_261] {strides = array<i32>} : memref<8192xf32, #tpu.memory_space<vmem>>, vector<16xf32>,
        %swap3A_263 = vector.shape_cast %swap3A_262 : vector<16xf32> to vector<16xf32>
        %swap3A_264 = vector.shape_cast %broadcast_in_dim3A_254 : vector<16xf32> to vector<16xf32>
        tpu.vector_store %arg6[%swap3A_261], %swap3A_264 {strides = array<i32>} : memref<8192xf32, #tpu.memory_space<vmem>>, vector<16xf32>,
        %broadcast_in_dim3A_265 = arith.constant 0.000000e+00 : f32
        %broadcast_in_dim3A_266 = vector.broadcast %broadcast_in_dim3A_265 : f32 to vector<16xf32>
        %mul3A_267 = arith.constant 8 : i32
        %mul3A_268 = arith.muli %scan3A_252, %mul3A_267 : i32
        %mul3A_269 = arith.constant 16 : i32
        %mul3A_270 = arith.muli %mul3A_268, %mul3A_269 : i32
        %add3A_271 = arith.constant 16 : i32
        %add3A_272 = arith.addi %mul3A_270, %add3A_271 : i32
        %swap3A_273 = arith.index_cast %add3A_272 : i32 to index
        %swap3A_274 = tpu.vector_load %arg6[%swap3A_273] {strides = array<i32>} : memref<8192xf32, #tpu.memory_space<vmem>>, vector<16xf32>,
        %swap3A_275 = vector.shape_cast %swap3A_274 : vector<16xf32> to vector<16xf32>
        %swap3A_276 = vector.shape_cast %broadcast_in_dim3A_266 : vector<16xf32> to vector<16xf32>
        tpu.vector_store %arg6[%swap3A_273], %swap3A_276 {strides = array<i32>} : memref<8192xf32, #tpu.memory_space<vmem>>, vector<16xf32>,
        %broadcast_in_dim3A_277 = arith.constant 0.000000e+00 : f32
        %broadcast_in_dim3A_278 = vector.broadcast %broadcast_in_dim3A_277 : f32 to vector<16xf32>
        %mul3A_279 = arith.constant 8 : i32
        %mul3A_280 = arith.muli %scan3A_252, %mul3A_279 : i32
        %mul3A_281 = arith.constant 16 : i32
        %mul3A_282 = arith.muli %mul3A_280, %mul3A_281 : i32
        %add3A_283 = arith.constant 32 : i32
        %add3A_284 = arith.addi %mul3A_282, %add3A_283 : i32
        %swap3A_285 = arith.index_cast %add3A_284 : i32 to index
        %swap3A_286 = tpu.vector_load %arg6[%swap3A_285] {strides = array<i32>} : memref<8192xf32, #tpu.memory_space<vmem>>, vector<16xf32>,
        %swap3A_287 = vector.shape_cast %swap3A_286 : vector<16xf32> to vector<16xf32>
        %swap3A_288 = vector.shape_cast %broadcast_in_dim3A_278 : vector<16xf32> to vector<16xf32>
        tpu.vector_store %arg6[%swap3A_285], %swap3A_288 {strides = array<i32>} : memref<8192xf32, #tpu.memory_space<vmem>>, vector<16xf32>,
        %broadcast_in_dim3A_289 = arith.constant 0.000000e+00 : f32
        %broadcast_in_dim3A_290 = vector.broadcast %broadcast_in_dim3A_289 : f32 to vector<16xf32>
        %mul3A_291 = arith.constant 8 : i32
        %mul3A_292 = arith.muli %scan3A_252, %mul3A_291 : i32
        %mul3A_293 = arith.constant 16 : i32
        %mul3A_294 = arith.muli %mul3A_292, %mul3A_293 : i32
        %add3A_295 = arith.constant 48 : i32
        %add3A_296 = arith.addi %mul3A_294, %add3A_295 : i32
        %swap3A_297 = arith.index_cast %add3A_296 : i32 to index
        %swap3A_298 = tpu.vector_load %arg6[%swap3A_297] {strides = array<i32>} : memref<8192xf32, #tpu.memory_space<vmem>>, vector<16xf32>,
        %swap3A_299 = vector.shape_cast %swap3A_298 : vector<16xf32> to vector<16xf32>
        %swap3A_300 = vector.shape_cast %broadcast_in_dim3A_290 : vector<16xf32> to vector<16xf32>
        tpu.vector_store %arg6[%swap3A_297], %swap3A_300 {strides = array<i32>} : memref<8192xf32, #tpu.memory_space<vmem>>, vector<16xf32>,
        %broadcast_in_dim3A_301 = arith.constant 0.000000e+00 : f32
        %broadcast_in_dim3A_302 = vector.broadcast %broadcast_in_dim3A_301 : f32 to vector<16xf32>
        %mul3A_303 = arith.constant 8 : i32
        %mul3A_304 = arith.muli %scan3A_252, %mul3A_303 : i32
        %mul3A_305 = arith.constant 16 : i32
        %mul3A_306 = arith.muli %mul3A_304, %mul3A_305 : i32
        %add3A_307 = arith.constant 64 : i32
        %add3A_308 = arith.addi %mul3A_306, %add3A_307 : i32
        %swap3A_309 = arith.index_cast %add3A_308 : i32 to index
        %swap3A_310 = tpu.vector_load %arg6[%swap3A_309] {strides = array<i32>} : memref<8192xf32, #tpu.memory_space<vmem>>, vector<16xf32>,
        %swap3A_311 = vector.shape_cast %swap3A_310 : vector<16xf32> to vector<16xf32>
        %swap3A_312 = vector.shape_cast %broadcast_in_dim3A_302 : vector<16xf32> to vector<16xf32>
        tpu.vector_store %arg6[%swap3A_309], %swap3A_312 {strides = array<i32>} : memref<8192xf32, #tpu.memory_space<vmem>>, vector<16xf32>,
        %broadcast_in_dim3A_313 = arith.constant 0.000000e+00 : f32
        %broadcast_in_dim3A_314 = vector.broadcast %broadcast_in_dim3A_313 : f32 to vector<16xf32>
        %mul3A_315 = arith.constant 8 : i32
        %mul3A_316 = arith.muli %scan3A_252, %mul3A_315 : i32
        %mul3A_317 = arith.constant 16 : i32
        %mul3A_318 = arith.muli %mul3A_316, %mul3A_317 : i32
        %add3A_319 = arith.constant 80 : i32
        %add3A_320 = arith.addi %mul3A_318, %add3A_319 : i32
        %swap3A_321 = arith.index_cast %add3A_320 : i32 to index
        %swap3A_322 = tpu.vector_load %arg6[%swap3A_321] {strides = array<i32>} : memref<8192xf32, #tpu.memory_space<vmem>>, vector<16xf32>,
        %swap3A_323 = vector.shape_cast %swap3A_322 : vector<16xf32> to vector<16xf32>
        %swap3A_324 = vector.shape_cast %broadcast_in_dim3A_314 : vector<16xf32> to vector<16xf32>
        tpu.vector_store %arg6[%swap3A_321], %swap3A_324 {strides = array<i32>} : memref<8192xf32, #tpu.memory_space<vmem>>, vector<16xf32>,
        %broadcast_in_dim3A_325 = arith.constant 0.000000e+00 : f32
        %broadcast_in_dim3A_326 = vector.broadcast %broadcast_in_dim3A_325 : f32 to vector<16xf32>
        %mul3A_327 = arith.constant 8 : i32
        %mul3A_328 = arith.muli %scan3A_252, %mul3A_327 : i32
        %mul3A_329 = arith.constant 16 : i32
        %mul3A_330 = arith.muli %mul3A_328, %mul3A_329 : i32
        %add3A_331 = arith.constant 96 : i32
        %add3A_332 = arith.addi %mul3A_330, %add3A_331 : i32
        %swap3A_333 = arith.index_cast %add3A_332 : i32 to index
        %swap3A_334 = tpu.vector_load %arg6[%swap3A_333] {strides = array<i32>} : memref<8192xf32, #tpu.memory_space<vmem>>, vector<16xf32>,
        %swap3A_335 = vector.shape_cast %swap3A_334 : vector<16xf32> to vector<16xf32>
        %swap3A_336 = vector.shape_cast %broadcast_in_dim3A_326 : vector<16xf32> to vector<16xf32>
        tpu.vector_store %arg6[%swap3A_333], %swap3A_336 {strides = array<i32>} : memref<8192xf32, #tpu.memory_space<vmem>>, vector<16xf32>,
        %broadcast_in_dim3A_337 = arith.constant 0.000000e+00 : f32
        %broadcast_in_dim3A_338 = vector.broadcast %broadcast_in_dim3A_337 : f32 to vector<16xf32>
        %mul3A_339 = arith.constant 8 : i32
        %mul3A_340 = arith.muli %scan3A_252, %mul3A_339 : i32
        %mul3A_341 = arith.constant 16 : i32
        %mul3A_342 = arith.muli %mul3A_340, %mul3A_341 : i32
        %add3A_343 = arith.constant 112 : i32
        %add3A_344 = arith.addi %mul3A_342, %add3A_343 : i32
        %swap3A_345 = arith.index_cast %add3A_344 : i32 to index
        %swap3A_346 = tpu.vector_load %arg6[%swap3A_345] {strides = array<i32>} : memref<8192xf32, #tpu.memory_space<vmem>>, vector<16xf32>,
        %swap3A_347 = vector.shape_cast %swap3A_346 : vector<16xf32> to vector<16xf32>
        %swap3A_348 = vector.shape_cast %broadcast_in_dim3A_338 : vector<16xf32> to vector<16xf32>
        tpu.vector_store %arg6[%swap3A_345], %swap3A_348 {strides = array<i32>} : memref<8192xf32, #tpu.memory_space<vmem>>, vector<16xf32>,
      }
      %scan3A_87 = arith.constant 64 : i32
      %slice3A_88 = vector.extract_strided_slice %get3A_23 {offsets = [0], sizes = [1], strides = [1]} : vector<16xi32> to vector<1xi32>
      %squeeze3A_89 = vector.extract %slice3A_88[0] : i32 from vector<1xi32>
      %shift_right_arithmetic3A = arith.constant 4 : i32
      %shift_right_arithmetic3A_90 = arith.shrsi %squeeze3A_89, %shift_right_arithmetic3A : i32
      %shift_left3A = arith.constant 4 : i32
      %shift_left3A_91 = arith.shli %shift_right_arithmetic3A_90, %shift_left3A : i32
      %and3A = arith.constant 15 : i32
      %and3A_92 = arith.andi %squeeze3A_89, %and3A : i32
      %get3A_93 = arith.index_cast %shift_left3A_91 : i32 to index
      %get3A_94 = tpu.vector_load %arg6[%get3A_93] {strides = array<i32>} : memref<8192xf32, #tpu.memory_space<vmem>>, vector<16xf32>,
      %get3A_95 = vector.shape_cast %get3A_94 : vector<16xf32> to vector<16xf32>
      %eq3A = vector.broadcast %and3A_92 : i32 to vector<16xi32>
      %eq3A_96 = arith.cmpi eq, %iota3A, %eq3A : vector<16xi32>
      %slice3A_97 = vector.extract_strided_slice %div3A {offsets = [0], sizes = [1], strides = [1]} : vector<16xf32> to vector<1xf32>
      %squeeze3A_98 = vector.extract %slice3A_97[0] : f32 from vector<1xf32>
      %broadcast_in_dim3A_99 = vector.broadcast %squeeze3A_98 : f32 to vector<16xf32>
      %select_n3A_100 = arith.select %eq3A_96, %broadcast_in_dim3A_99, %get3A_95 : vector<16xi1>, vector<16xf32>
      %swap3A_101 = arith.index_cast %shift_left3A_91 : i32 to index
      %swap3A_102 = tpu.vector_load %arg6[%swap3A_101] {strides = array<i32>} : memref<8192xf32, #tpu.memory_space<vmem>>, vector<16xf32>,
      %swap3A_103 = vector.shape_cast %swap3A_102 : vector<16xf32> to vector<16xf32>
      %swap3A_104 = vector.shape_cast %select_n3A_100 : vector<16xf32> to vector<16xf32>
      tpu.vector_store %arg6[%swap3A_101], %swap3A_104 {strides = array<i32>} : memref<8192xf32, #tpu.memory_space<vmem>>, vector<16xf32>,
      %slice3A_105 = vector.extract_strided_slice %get3A_23 {offsets = [1], sizes = [1], strides = [1]} : vector<16xi32> to vector<1xi32>
      %squeeze3A_106 = vector.extract %slice3A_105[0] : i32 from vector<1xi32>
      %shift_right_arithmetic3A_107 = arith.constant 4 : i32
      %shift_right_arithmetic3A_108 = arith.shrsi %squeeze3A_106, %shift_right_arithmetic3A_107 : i32
      %shift_left3A_109 = arith.constant 4 : i32
      %shift_left3A_110 = arith.shli %shift_right_arithmetic3A_108, %shift_left3A_109 : i32
      %and3A_111 = arith.constant 15 : i32
      %and3A_112 = arith.andi %squeeze3A_106, %and3A_111 : i32
      %get3A_113 = arith.index_cast %shift_left3A_110 : i32 to index
      %get3A_114 = tpu.vector_load %arg6[%get3A_113] {strides = array<i32>} : memref<8192xf32, #tpu.memory_space<vmem>>, vector<16xf32>,
      %get3A_115 = vector.shape_cast %get3A_114 : vector<16xf32> to vector<16xf32>
      %eq3A_116 = vector.broadcast %and3A_112 : i32 to vector<16xi32>
      %eq3A_117 = arith.cmpi eq, %iota3A, %eq3A_116 : vector<16xi32>
      %slice3A_118 = vector.extract_strided_slice %div3A {offsets = [1], sizes = [1], strides = [1]} : vector<16xf32> to vector<1xf32>
      %squeeze3A_119 = vector.extract %slice3A_118[0] : f32 from vector<1xf32>
      %broadcast_in_dim3A_120 = vector.broadcast %squeeze3A_119 : f32 to vector<16xf32>
      %select_n3A_121 = arith.select %eq3A_117, %broadcast_in_dim3A_120, %get3A_115 : vector<16xi1>, vector<16xf32>
      %swap3A_122 = arith.index_cast %shift_left3A_110 : i32 to index
      %swap3A_123 = tpu.vector_load %arg6[%swap3A_122] {strides = array<i32>} : memref<8192xf32, #tpu.memory_space<vmem>>, vector<16xf32>,
      %swap3A_124 = vector.shape_cast %swap3A_123 : vector<16xf32> to vector<16xf32>
      %swap3A_125 = vector.shape_cast %select_n3A_121 : vector<16xf32> to vector<16xf32>
      tpu.vector_store %arg6[%swap3A_122], %swap3A_125 {strides = array<i32>} : memref<8192xf32, #tpu.memory_space<vmem>>, vector<16xf32>,
      %slice3A_126 = vector.extract_strided_slice %get3A_23 {offsets = [2], sizes = [1], strides = [1]} : vector<16xi32> to vector<1xi32>
      %squeeze3A_127 = vector.extract %slice3A_126[0] : i32 from vector<1xi32>
      %shift_right_arithmetic3A_128 = arith.constant 4 : i32
      %shift_right_arithmetic3A_129 = arith.shrsi %squeeze3A_127, %shift_right_arithmetic3A_128 : i32
      %shift_left3A_130 = arith.constant 4 : i32
      %shift_left3A_131 = arith.shli %shift_right_arithmetic3A_129, %shift_left3A_130 : i32
      %and3A_132 = arith.constant 15 : i32
      %and3A_133 = arith.andi %squeeze3A_127, %and3A_132 : i32
      %get3A_134 = arith.index_cast %shift_left3A_131 : i32 to index
      %get3A_135 = tpu.vector_load %arg6[%get3A_134] {strides = array<i32>} : memref<8192xf32, #tpu.memory_space<vmem>>, vector<16xf32>,
      %get3A_136 = vector.shape_cast %get3A_135 : vector<16xf32> to vector<16xf32>
      %eq3A_137 = vector.broadcast %and3A_133 : i32 to vector<16xi32>
      %eq3A_138 = arith.cmpi eq, %iota3A, %eq3A_137 : vector<16xi32>
      %slice3A_139 = vector.extract_strided_slice %div3A {offsets = [2], sizes = [1], strides = [1]} : vector<16xf32> to vector<1xf32>
      %squeeze3A_140 = vector.extract %slice3A_139[0] : f32 from vector<1xf32>
      %broadcast_in_dim3A_141 = vector.broadcast %squeeze3A_140 : f32 to vector<16xf32>
      %select_n3A_142 = arith.select %eq3A_138, %broadcast_in_dim3A_141, %get3A_136 : vector<16xi1>, vector<16xf32>
      %swap3A_143 = arith.index_cast %shift_left3A_131 : i32 to index
      %swap3A_144 = tpu.vector_load %arg6[%swap3A_143] {strides = array<i32>} : memref<8192xf32, #tpu.memory_space<vmem>>, vector<16xf32>,
      %swap3A_145 = vector.shape_cast %swap3A_144 : vector<16xf32> to vector<16xf32>
      %swap3A_146 = vector.shape_cast %select_n3A_142 : vector<16xf32> to vector<16xf32>
      tpu.vector_store %arg6[%swap3A_143], %swap3A_146 {strides = array<i32>} : memref<8192xf32, #tpu.memory_space<vmem>>, vector<16xf32>,
      %slice3A_147 = vector.extract_strided_slice %get3A_23 {offsets = [3], sizes = [1], strides = [1]} : vector<16xi32> to vector<1xi32>
      %squeeze3A_148 = vector.extract %slice3A_147[0] : i32 from vector<1xi32>
      %shift_right_arithmetic3A_149 = arith.constant 4 : i32
      %shift_right_arithmetic3A_150 = arith.shrsi %squeeze3A_148, %shift_right_arithmetic3A_149 : i32
      %shift_left3A_151 = arith.constant 4 : i32
      %shift_left3A_152 = arith.shli %shift_right_arithmetic3A_150, %shift_left3A_151 : i32
      %and3A_153 = arith.constant 15 : i32
      %and3A_154 = arith.andi %squeeze3A_148, %and3A_153 : i32
      %get3A_155 = arith.index_cast %shift_left3A_152 : i32 to index
      %get3A_156 = tpu.vector_load %arg6[%get3A_155] {strides = array<i32>} : memref<8192xf32, #tpu.memory_space<vmem>>, vector<16xf32>,
      %get3A_157 = vector.shape_cast %get3A_156 : vector<16xf32> to vector<16xf32>
      %eq3A_158 = vector.broadcast %and3A_154 : i32 to vector<16xi32>
      %eq3A_159 = arith.cmpi eq, %iota3A, %eq3A_158 : vector<16xi32>
      %slice3A_160 = vector.extract_strided_slice %div3A {offsets = [3], sizes = [1], strides = [1]} : vector<16xf32> to vector<1xf32>
      %squeeze3A_161 = vector.extract %slice3A_160[0] : f32 from vector<1xf32>
      %broadcast_in_dim3A_162 = vector.broadcast %squeeze3A_161 : f32 to vector<16xf32>
      %select_n3A_163 = arith.select %eq3A_159, %broadcast_in_dim3A_162, %get3A_157 : vector<16xi1>, vector<16xf32>
      %swap3A_164 = arith.index_cast %shift_left3A_152 : i32 to index
      %swap3A_165 = tpu.vector_load %arg6[%swap3A_164] {strides = array<i32>} : memref<8192xf32, #tpu.memory_space<vmem>>, vector<16xf32>,
      %swap3A_166 = vector.shape_cast %swap3A_165 : vector<16xf32> to vector<16xf32>
      %swap3A_167 = vector.shape_cast %select_n3A_163 : vector<16xf32> to vector<16xf32>
      tpu.vector_store %arg6[%swap3A_164], %swap3A_167 {strides = array<i32>} : memref<8192xf32, #tpu.memory_space<vmem>>, vector<16xf32>,
      %slice3A_168 = vector.extract_strided_slice %get3A_23 {offsets = [4], sizes = [1], strides = [1]} : vector<16xi32> to vector<1xi32>
      %squeeze3A_169 = vector.extract %slice3A_168[0] : i32 from vector<1xi32>
      %shift_right_arithmetic3A_170 = arith.constant 4 : i32
      %shift_right_arithmetic3A_171 = arith.shrsi %squeeze3A_169, %shift_right_arithmetic3A_170 : i32
      %shift_left3A_172 = arith.constant 4 : i32
      %shift_left3A_173 = arith.shli %shift_right_arithmetic3A_171, %shift_left3A_172 : i32
      %and3A_174 = arith.constant 15 : i32
      %and3A_175 = arith.andi %squeeze3A_169, %and3A_174 : i32
      %get3A_176 = arith.index_cast %shift_left3A_173 : i32 to index
      %get3A_177 = tpu.vector_load %arg6[%get3A_176] {strides = array<i32>} : memref<8192xf32, #tpu.memory_space<vmem>>, vector<16xf32>,
      %get3A_178 = vector.shape_cast %get3A_177 : vector<16xf32> to vector<16xf32>
      %eq3A_179 = vector.broadcast %and3A_175 : i32 to vector<16xi32>
      %eq3A_180 = arith.cmpi eq, %iota3A, %eq3A_179 : vector<16xi32>
      %slice3A_181 = vector.extract_strided_slice %div3A {offsets = [4], sizes = [1], strides = [1]} : vector<16xf32> to vector<1xf32>
      %squeeze3A_182 = vector.extract %slice3A_181[0] : f32 from vector<1xf32>
      %broadcast_in_dim3A_183 = vector.broadcast %squeeze3A_182 : f32 to vector<16xf32>
      %select_n3A_184 = arith.select %eq3A_180, %broadcast_in_dim3A_183, %get3A_178 : vector<16xi1>, vector<16xf32>
      %swap3A_185 = arith.index_cast %shift_left3A_173 : i32 to index
      %swap3A_186 = tpu.vector_load %arg6[%swap3A_185] {strides = array<i32>} : memref<8192xf32, #tpu.memory_space<vmem>>, vector<16xf32>,
      %swap3A_187 = vector.shape_cast %swap3A_186 : vector<16xf32> to vector<16xf32>
      %swap3A_188 = vector.shape_cast %select_n3A_184 : vector<16xf32> to vector<16xf32>
      tpu.vector_store %arg6[%swap3A_185], %swap3A_188 {strides = array<i32>} : memref<8192xf32, #tpu.memory_space<vmem>>, vector<16xf32>,
      %slice3A_189 = vector.extract_strided_slice %get3A_23 {offsets = [5], sizes = [1], strides = [1]} : vector<16xi32> to vector<1xi32>
      %squeeze3A_190 = vector.extract %slice3A_189[0] : i32 from vector<1xi32>
      %shift_right_arithmetic3A_191 = arith.constant 4 : i32
      %shift_right_arithmetic3A_192 = arith.shrsi %squeeze3A_190, %shift_right_arithmetic3A_191 : i32
      %shift_left3A_193 = arith.constant 4 : i32
      %shift_left3A_194 = arith.shli %shift_right_arithmetic3A_192, %shift_left3A_193 : i32
      %and3A_195 = arith.constant 15 : i32
      %and3A_196 = arith.andi %squeeze3A_190, %and3A_195 : i32
      %get3A_197 = arith.index_cast %shift_left3A_194 : i32 to index
      %get3A_198 = tpu.vector_load %arg6[%get3A_197] {strides = array<i32>} : memref<8192xf32, #tpu.memory_space<vmem>>, vector<16xf32>,
      %get3A_199 = vector.shape_cast %get3A_198 : vector<16xf32> to vector<16xf32>
      %eq3A_200 = vector.broadcast %and3A_196 : i32 to vector<16xi32>
      %eq3A_201 = arith.cmpi eq, %iota3A, %eq3A_200 : vector<16xi32>
      %slice3A_202 = vector.extract_strided_slice %div3A {offsets = [5], sizes = [1], strides = [1]} : vector<16xf32> to vector<1xf32>
      %squeeze3A_203 = vector.extract %slice3A_202[0] : f32 from vector<1xf32>
      %broadcast_in_dim3A_204 = vector.broadcast %squeeze3A_203 : f32 to vector<16xf32>
      %select_n3A_205 = arith.select %eq3A_201, %broadcast_in_dim3A_204, %get3A_199 : vector<16xi1>, vector<16xf32>
      %swap3A_206 = arith.index_cast %shift_left3A_194 : i32 to index
      %swap3A_207 = tpu.vector_load %arg6[%swap3A_206] {strides = array<i32>} : memref<8192xf32, #tpu.memory_space<vmem>>, vector<16xf32>,
      %swap3A_208 = vector.shape_cast %swap3A_207 : vector<16xf32> to vector<16xf32>
      %swap3A_209 = vector.shape_cast %select_n3A_205 : vector<16xf32> to vector<16xf32>
      tpu.vector_store %arg6[%swap3A_206], %swap3A_209 {strides = array<i32>} : memref<8192xf32, #tpu.memory_space<vmem>>, vector<16xf32>,
      %slice3A_210 = vector.extract_strided_slice %get3A_23 {offsets = [6], sizes = [1], strides = [1]} : vector<16xi32> to vector<1xi32>
      %squeeze3A_211 = vector.extract %slice3A_210[0] : i32 from vector<1xi32>
      %shift_right_arithmetic3A_212 = arith.constant 4 : i32
      %shift_right_arithmetic3A_213 = arith.shrsi %squeeze3A_211, %shift_right_arithmetic3A_212 : i32
      %shift_left3A_214 = arith.constant 4 : i32
      %shift_left3A_215 = arith.shli %shift_right_arithmetic3A_213, %shift_left3A_214 : i32
      %and3A_216 = arith.constant 15 : i32
      %and3A_217 = arith.andi %squeeze3A_211, %and3A_216 : i32
      %get3A_218 = arith.index_cast %shift_left3A_215 : i32 to index
      %get3A_219 = tpu.vector_load %arg6[%get3A_218] {strides = array<i32>} : memref<8192xf32, #tpu.memory_space<vmem>>, vector<16xf32>,
      %get3A_220 = vector.shape_cast %get3A_219 : vector<16xf32> to vector<16xf32>
      %eq3A_221 = vector.broadcast %and3A_217 : i32 to vector<16xi32>
      %eq3A_222 = arith.cmpi eq, %iota3A, %eq3A_221 : vector<16xi32>
      %slice3A_223 = vector.extract_strided_slice %div3A {offsets = [6], sizes = [1], strides = [1]} : vector<16xf32> to vector<1xf32>
      %squeeze3A_224 = vector.extract %slice3A_223[0] : f32 from vector<1xf32>
      %broadcast_in_dim3A_225 = vector.broadcast %squeeze3A_224 : f32 to vector<16xf32>
      %select_n3A_226 = arith.select %eq3A_222, %broadcast_in_dim3A_225, %get3A_220 : vector<16xi1>, vector<16xf32>
      %swap3A_227 = arith.index_cast %shift_left3A_215 : i32 to index
      %swap3A_228 = tpu.vector_load %arg6[%swap3A_227] {strides = array<i32>} : memref<8192xf32, #tpu.memory_space<vmem>>, vector<16xf32>,
      %swap3A_229 = vector.shape_cast %swap3A_228 : vector<16xf32> to vector<16xf32>
      %swap3A_230 = vector.shape_cast %select_n3A_226 : vector<16xf32> to vector<16xf32>
      tpu.vector_store %arg6[%swap3A_227], %swap3A_230 {strides = array<i32>} : memref<8192xf32, #tpu.memory_space<vmem>>, vector<16xf32>,
      %slice3A_231 = vector.extract_strided_slice %get3A_23 {offsets = [7], sizes = [1], strides = [1]} : vector<16xi32> to vector<1xi32>
      %squeeze3A_232 = vector.extract %slice3A_231[0] : i32 from vector<1xi32>
      %shift_right_arithmetic3A_233 = arith.constant 4 : i32
      %shift_right_arithmetic3A_234 = arith.shrsi %squeeze3A_232, %shift_right_arithmetic3A_233 : i32
      %shift_left3A_235 = arith.constant 4 : i32
      %shift_left3A_236 = arith.shli %shift_right_arithmetic3A_234, %shift_left3A_235 : i32
      %and3A_237 = arith.constant 15 : i32
      %and3A_238 = arith.andi %squeeze3A_232, %and3A_237 : i32
      %get3A_239 = arith.index_cast %shift_left3A_236 : i32 to index
      %get3A_240 = tpu.vector_load %arg6[%get3A_239] {strides = array<i32>} : memref<8192xf32, #tpu.memory_space<vmem>>, vector<16xf32>,
      %get3A_241 = vector.shape_cast %get3A_240 : vector<16xf32> to vector<16xf32>
      %eq3A_242 = vector.broadcast %and3A_238 : i32 to vector<16xi32>
      %eq3A_243 = arith.cmpi eq, %iota3A, %eq3A_242 : vector<16xi32>
      %slice3A_244 = vector.extract_strided_slice %div3A {offsets = [7], sizes = [1], strides = [1]} : vector<16xf32> to vector<1xf32>
      %squeeze3A_245 = vector.extract %slice3A_244[0] : f32 from vector<1xf32>
      %broadcast_in_dim3A_246 = vector.broadcast %squeeze3A_245 : f32 to vector<16xf32>
      %select_n3A_247 = arith.select %eq3A_243, %broadcast_in_dim3A_246, %get3A_241 : vector<16xi1>, vector<16xf32>
      %swap3A_248 = arith.index_cast %shift_left3A_236 : i32 to index
      %swap3A_249 = tpu.vector_load %arg6[%swap3A_248] {strides = array<i32>} : memref<8192xf32, #tpu.memory_space<vmem>>, vector<16xf32>,
      %swap3A_250 = vector.shape_cast %swap3A_249 : vector<16xf32> to vector<16xf32>
      %swap3A_251 = vector.shape_cast %select_n3A_247 : vector<16xf32> to vector<16xf32>
      tpu.vector_store %arg6[%swap3A_248], %swap3A_251 {strides = array<i32>} : memref<8192xf32, #tpu.memory_space<vmem>>, vector<16xf32>,
      "tpu.region"() ({
        %run_scoped3A = tpu.sem_alloc : memref<!tpu.dma_semaphore, #tpu.memory_space<semaphore_mem>>
        %dma_start3A = arith.constant 0 : i32
        %dma_start3A_252 = tpu.memref_slice %arg3[%add3A, %dma_start3A] : memref<16x8192xf32, #tpu.memory_space<hbm>> -> memref<1x8192xf32, #tpu.memory_space<hbm>>
        %dma_start3A_253 = tpu.memref_squeeze %dma_start3A_252 : memref<1x8192xf32, #tpu.memory_space<hbm>> -> memref<8192xf32, #tpu.memory_space<hbm>>
        %dma_start3A_254 = arith.constant 0 : i32
        %dma_start3A_255 = tpu.memref_slice %arg3[%add3A, %dma_start3A_254] : memref<16x8192xf32, #tpu.memory_space<hbm>> -> memref<1x8192xf32, #tpu.memory_space<hbm>>
        %dma_start3A_256 = tpu.memref_squeeze %dma_start3A_255 : memref<1x8192xf32, #tpu.memory_space<hbm>> -> memref<8192xf32, #tpu.memory_space<hbm>>
        tpu.enqueue_dma source(%arg6 : memref<8192xf32, #tpu.memory_space<vmem>>) target(%dma_start3A_256 : memref<8192xf32, #tpu.memory_space<hbm>>) target_semaphore(%run_scoped3A : memref<!tpu.dma_semaphore, #tpu.memory_space<semaphore_mem>>)
        %dma_wait3A = arith.constant 0 : i32
        %dma_wait3A_257 = tpu.memref_slice %arg3[%add3A, %dma_wait3A] : memref<16x8192xf32, #tpu.memory_space<hbm>> -> memref<1x8192xf32, #tpu.memory_space<hbm>>
        %dma_wait3A_258 = tpu.memref_squeeze %dma_wait3A_257 : memref<1x8192xf32, #tpu.memory_space<hbm>> -> memref<8192xf32, #tpu.memory_space<hbm>>
        %dma_wait3A_259 = arith.constant 0 : i32
        %dma_wait3A_260 = tpu.memref_slice %arg3[%add3A, %dma_wait3A_259] : memref<16x8192xf32, #tpu.memory_space<hbm>> -> memref<1x8192xf32, #tpu.memory_space<hbm>>
        %dma_wait3A_261 = tpu.memref_squeeze %dma_wait3A_260 : memref<1x8192xf32, #tpu.memory_space<hbm>> -> memref<8192xf32, #tpu.memory_space<hbm>>
        tpu.wait_dma2 semaphore(%run_scoped3A : memref<!tpu.dma_semaphore, #tpu.memory_space<semaphore_mem>>) src(%arg6 : memref<8192xf32, #tpu.memory_space<vmem>>) dst(%dma_wait3A_261 : memref<8192xf32, #tpu.memory_space<hbm>>)
        tpu.yield
      }) : () -> ()
      "tpu.region"() ({
        %run_scoped3A = tpu.sem_alloc : memref<!tpu.dma_semaphore, #tpu.memory_space<semaphore_mem>>
        %dma_start3A = arith.constant 0 : i32
        %dma_start3A_252 = tpu.memref_slice %arg4[%add3A, %dma_start3A] : memref<16x16xi32, #tpu.memory_space<hbm>> -> memref<1x16xi32, #tpu.memory_space<hbm>>
        %dma_start3A_253 = tpu.memref_squeeze %dma_start3A_252 : memref<1x16xi32, #tpu.memory_space<hbm>> -> memref<16xi32, #tpu.memory_space<hbm>>
        %dma_start3A_254 = arith.constant 0 : i32
        %dma_start3A_255 = tpu.memref_slice %arg4[%add3A, %dma_start3A_254] : memref<16x16xi32, #tpu.memory_space<hbm>> -> memref<1x16xi32, #tpu.memory_space<hbm>>
        %dma_start3A_256 = tpu.memref_squeeze %dma_start3A_255 : memref<1x16xi32, #tpu.memory_space<hbm>> -> memref<16xi32, #tpu.memory_space<hbm>>
        tpu.enqueue_dma source(%arg7 : memref<16xi32, #tpu.memory_space<vmem>>) target(%dma_start3A_256 : memref<16xi32, #tpu.memory_space<hbm>>) target_semaphore(%run_scoped3A : memref<!tpu.dma_semaphore, #tpu.memory_space<semaphore_mem>>)
        %dma_wait3A = arith.constant 0 : i32
        %dma_wait3A_257 = tpu.memref_slice %arg4[%add3A, %dma_wait3A] : memref<16x16xi32, #tpu.memory_space<hbm>> -> memref<1x16xi32, #tpu.memory_space<hbm>>
        %dma_wait3A_258 = tpu.memref_squeeze %dma_wait3A_257 : memref<1x16xi32, #tpu.memory_space<hbm>> -> memref<16xi32, #tpu.memory_space<hbm>>
        %dma_wait3A_259 = arith.constant 0 : i32
        %dma_wait3A_260 = tpu.memref_slice %arg4[%add3A, %dma_wait3A_259] : memref<16x16xi32, #tpu.memory_space<hbm>> -> memref<1x16xi32, #tpu.memory_space<hbm>>
        %dma_wait3A_261 = tpu.memref_squeeze %dma_wait3A_260 : memref<1x16xi32, #tpu.memory_space<hbm>> -> memref<16xi32, #tpu.memory_space<hbm>>
        tpu.wait_dma2 semaphore(%run_scoped3A : memref<!tpu.dma_semaphore, #tpu.memory_space<semaphore_mem>>) src(%arg7 : memref<16xi32, #tpu.memory_space<vmem>>) dst(%dma_wait3A_261 : memref<16xi32, #tpu.memory_space<hbm>>)
        tpu.yield
      }) : () -> ()
    } else {
    }
    return
  }
}

module attributes {stable_mosaic.version = 14 : i64} {
  func.func @_noisy_body(%arg0: i32, %arg1: memref<32x2048xf32, #tpu.memory_space<vmem>>, %arg2: memref<32x1xf32, #tpu.memory_space<vmem>>, %arg3: memref<16x1024xf32, #tpu.memory_space<vmem>>, %arg4: memref<1024x2048xf32, #tpu.memory_space<vmem>>, %arg5: memref<16x1024xf32, #tpu.memory_space<vmem>>) attributes {dimension_semantics = [#tpu.dimension_semantics<arbitrary>], iteration_bounds = array<i64: 8>, scalar_prefetch = 0 : i64, scratch_operands = 0 : i64, tpu.core_type = #tpu.core_type<tc>, window_params = [{pipeline_mode = #tpu.pipeline_mode<synchronous>, transform_indices = @transform_0, window_bounds = array<i64: 32, 2048>}, {pipeline_mode = #tpu.pipeline_mode<synchronous>, transform_indices = @transform_1, window_bounds = array<i64: 32, 1>}, {transform_indices = @transform_2, window_bounds = array<i64: 16, 1024>}, {transform_indices = @transform_3, window_bounds = array<i64: 1024, 2048>}, {transform_indices = @transform_4, window_bounds = array<i64: 16, 1024>}]} {
    %get3A = arith.constant 0 : index
    %get3A_0 = arith.constant 0 : index
    %get3A_1 = vector.load %arg1[%get3A, %get3A_0] : memref<32x2048xf32, #tpu.memory_space<vmem>>, vector<32x2048xf32>
    %get3A_2 = arith.constant 0 : index
    %get3A_3 = arith.constant 0 : index
    %get3A_4 = vector.load %arg4[%get3A_2, %get3A_3] : memref<1024x2048xf32, #tpu.memory_space<vmem>>, vector<1024x2048xf32>
    %dot_general3A = arith.constant dense<0.000000e+00> : vector<32x1024xf32>
    %dot_general3A_5 = tpu.matmul %get3A_1, %get3A_4, %dot_general3A {dimension_numbers = #tpu.dot_dimension_numbers<[1], [1], [0], [0], [0, 0, 1, 0], [], []>, transpose_lhs_hint = false} : vector<32x2048xf32>, vector<1024x2048xf32>, vector<32x1024xf32> -> vector<32x1024xf32>
    %slice3A = vector.extract_strided_slice %dot_general3A_5 {offsets = [0, 0], sizes = [16, 1024], strides = [1, 1]} : vector<32x1024xf32> to vector<16x1024xf32>
    %get3A_6 = arith.constant 0 : index
    %get3A_7 = arith.constant 0 : index
    %get3A_8 = vector.load %arg2[%get3A_6, %get3A_7] : memref<32x1xf32, #tpu.memory_space<vmem>>, vector<16x1xf32>
    %add3A = vector.broadcast %get3A_8 : vector<16x1xf32> to vector<16x1024xf32>
    %add3A_9 = arith.addf %slice3A, %add3A : vector<16x1024xf32>
    %slice3A_10 = vector.extract_strided_slice %dot_general3A_5 {offsets = [16, 0], sizes = [16, 1024], strides = [1, 1]} : vector<32x1024xf32> to vector<16x1024xf32>
    %get3A_11 = arith.constant 16 : index
    %get3A_12 = arith.constant 0 : index
    %get3A_13 = vector.load %arg2[%get3A_11, %get3A_12] : memref<32x1xf32, #tpu.memory_space<vmem>>, vector<16x1xf32>
    %add3A_14 = vector.broadcast %get3A_13 : vector<16x1xf32> to vector<16x1024xf32>
    %add3A_15 = arith.addf %slice3A_10, %add3A_14 : vector<16x1024xf32>
    %get3A_16 = arith.constant 0 : index
    %get3A_17 = arith.constant 0 : index
    %get3A_18 = vector.load %arg3[%get3A_16, %get3A_17] : memref<16x1024xf32, #tpu.memory_space<vmem>>, vector<16x1024xf32>
    %custom_jvp_call3A = arith.constant 0.000000e+00 : f32
    %max3A = vector.broadcast %custom_jvp_call3A : f32 to vector<16x1024xf32>
    %max3A_19 = arith.maximumf %add3A_15, %max3A : vector<16x1024xf32>
    %sub3A = vector.broadcast %custom_jvp_call3A : f32 to vector<16x1024xf32>
    %sub3A_20 = arith.subf %add3A_15, %sub3A : vector<16x1024xf32>
    %ne3A = arith.cmpf one, %sub3A_20, %sub3A_20 : vector<16x1024xf32>
    %add3A_21 = vector.broadcast %custom_jvp_call3A : f32 to vector<16x1024xf32>
    %add3A_22 = arith.addf %add3A_15, %add3A_21 : vector<16x1024xf32>
    %abs3A = math.absf %sub3A_20 : vector<16x1024xf32>
    %neg3A = arith.constant 0.000000e+00 : f32
    %neg3A_23 = vector.broadcast %neg3A : f32 to vector<16x1024xf32>
    %neg3A_24 = arith.subf %neg3A_23, %abs3A : vector<16x1024xf32>
    %exp3A = math.exp %neg3A_24 : vector<16x1024xf32>
    %log1p3A = math.log1p %exp3A : vector<16x1024xf32>
    %add3A_25 = arith.addf %max3A_19, %log1p3A : vector<16x1024xf32>
    %select_n3A = arith.select %ne3A, %add3A_22, %add3A_25 : vector<16x1024xi1>, vector<16x1024xf32>
    %mul3A = arith.mulf %get3A_18, %select_n3A : vector<16x1024xf32>
    %add3A_26 = arith.addf %add3A_9, %mul3A : vector<16x1024xf32>
    %swap3A = arith.constant 0 : index
    %swap3A_27 = arith.constant 0 : index
    %swap3A_28 = vector.load %arg5[%swap3A, %swap3A_27] : memref<16x1024xf32, #tpu.memory_space<vmem>>, vector<16x1024xf32>
    tpu.vector_store %arg5[%swap3A, %swap3A_27], %add3A_26 {strides = array<i32>} : memref<16x1024xf32, #tpu.memory_space<vmem>>, vector<16x1024xf32>,
    return
  }
  func.func @transform_0(%arg0: i32) -> (i32, i32) {
    %c0_i32 = arith.constant 0 : i32
    %c0_i32_0 = arith.constant 0 : i32
    %c0_i32_1 = arith.constant 0 : i32
    return %c0_i32, %c0_i32_0 : i32, i32
  }
  func.func @transform_1(%arg0: i32) -> (i32, i32) {
    %c0_i32 = arith.constant 0 : i32
    %c0_i32_0 = arith.constant 0 : i32
    %c0_i32_1 = arith.constant 0 : i32
    return %c0_i32, %c0_i32_0 : i32, i32
  }
  func.func @transform_2(%arg0: i32) -> (i32, i32) {
    %c0_i32 = arith.constant 0 : i32
    %c0_i32_0 = arith.constant 0 : i32
    return %c0_i32, %arg0 : i32, i32
  }
  func.func @transform_3(%arg0: i32) -> (i32, i32) {
    %c0_i32 = arith.constant 0 : i32
    %c0_i32_0 = arith.constant 0 : i32
    return %arg0, %c0_i32 : i32, i32
  }
  func.func @transform_4(%arg0: i32) -> (i32, i32) {
    %c0_i32 = arith.constant 0 : i32
    %c0_i32_0 = arith.constant 0 : i32
    return %c0_i32, %arg0 : i32, i32
  }
}

</mosaic_0001>

<sc_bundles>
// kernel: kernel.4.cloned.1.call-start
scs
__scs_entry_jumppad:
0x0: {  	(pc) =	sbr.rel $0x88, $3  }
0x1: {  	(tag) =	ssettag $0x0;
	lr =	simm.s32 $0x1  }
0x2: {  	[smem:$0x3F9B] =	sst lr;
	_ =	strace $0xD0000000  }
0x3: {  	_ = 	snop  }
0x4: {  	_ = 	snop  }
0x5: {  	_ = 	snop  }
0x6: {  	_ = 	snop  }
0x7: {  	_ = 	snop  }
__scs_overlays_trampoline_lowered:
0x8: {  	[smem:$0x3FAA] =	sst s0  }
0x9: {  	[smem:$0x3FAB] =	sst s1  }
0xa: {  	[smem:$0x3FAC] =	sst s2  }
0xb: {  	[smem:$0x3FAD] =	sst s3  }
0xc: {  	[smem:$0x3FAE] =	sst s4  }
0xd: {  	[smem:$0x3FAF] =	sst s5  }
0xe: {  	[smem:$0x3FB0] =	sst s6  }
0xf: {  	[smem:$0x3FB1] =	sst s7  }
0x10: {  	[smem:$0x3FB2] =	sst s8  }
0x11: {  	[smem:$0x3FB3] =	sst s9;
	s0 =	simm.s32 @!p0 $0x0  }
0x12: {  	s1 =	sld [smem:$0x3F99];
	s0 =	simm.s32 @p0 $0x1  }
0x13: {  	[smem:$0x3FB4] =	sst s0;
	s0 =	simm.s32 @!p1 $0x0  }
0x14: {  	s2 =	sld [smem:$0x3F98];
	s0 =	simm.s32 @p1 $0x1  }
0x15: {  	[smem:$0x3FB5] =	sst s0;
	s0 =	simm.s32 @!p2 $0x0  }
0x16: {  	s3 =	sld [smem:$0x3FDB];
	s0 =	simm.s32 @p2 $0x1  }
0x17: {  	s4 =	simm.s32 $0x1BF5;
	[smem:$0x3FB7] =	sst s0  }
0x18: {  	s0 =	sld [smem:$0x3F9A];
	_ =	swait.ge [sflag:s4], $0x0  }
0x19: {  	s7 =	sld [smem:$0x3F9B]  }
0x1a: {  	s8 =	sadd.s32 $0xFFFFE003, lr  }
0x1b: {  	s9 =	sadd.s32 $0xFFFFFEF7, lr;
	s5 =	simm.s32 $0xFFFFFFFF;
	p2 =	slt.u32 s8, $0xFFFFF086  }
0x1c: {  	p1 =	slt.u32 s9, $0xF7A;
	s5 =	simm.s32 @!p2 $0x0  }
0x1d: {  	s5 =	simm.s32 @p1 $0x1;
	p0 =	seq.s32 s7, s2  }
0x1e: {  	s7 =	smul.u32 @!p0 $0xF7A, s2;
	p2 =	seq.s32 @!p0 s5, $0x0  }
0x1f: {  	s9 =	smul.u32 $0xF7A, s1;
	s8 =	simm.s32 @!p0 $0x1BF5;
	p2 =	por !p2, p0  }
0x20: {  	[sflag:s8] =	ssyncset.s32 @!p0 $0xFFFFF086;
	s6 =	sadd.s32 @!p0 s3, s7;
	s7 =	simm.s32 @!p0 $0x108  }
0x21: {  	s3 =	sadd.s32 s3, s9;
	s6 =	sadd.s32 @!p0 $0x88, s6;
	s7 =	simm.s32 @p2 $0x1082  }
0x22: {  	[simem:s7], [sflag:s8] =	dma.local @!p0 [hbm:s6], $0xF7A  }
0x23: {  	s9 =	sor.u32 $0xD0000000, s2;
	s6 =	simm.s32 $0x108;
	_ =	swait.ge @!p0 [sflag:s8], $0x0  }
0x24: {  	s3 =	sadd.s32 $0x88, s3;
	s6 =	simm.s32 @!p1 $0x1082;
	[sflag:s4] =	ssyncset.s32 $0xFFFFF086  }
0x25: {  	[simem:s6], [sflag:s4] =	dma.local [hbm:s3], $0xF7A  }
0x26: {  	[smem:$0x3F9B] =	sst s1;
	(tag) =	ssettag s2;
	_ =	strace s9  }
0x27: {  	s1 =	sld [smem:$0x3FAB]  }
0x28: {  	s2 =	sld [smem:$0x3FAC]  }
0x29: {  	s4 =	sld [smem:$0x3FAE]  }
0x2a: {  	p0 =	seq.s32 s5, $0x0;
	s5 =	sld [smem:$0x3FAF]  }
0x2b: {  	s6 =	sld [smem:$0x3FB0]  }
0x2c: {  	s7 =	sld [smem:$0x3FB1]  }
0x2d: {  	s3 =	simm.s32 $0x108;
	s8 =	sld [smem:$0x3FB2]  }
0x2e: {  	s3 =	simm.s32 @!p0 $0x1082;
	s9 =	sld [smem:$0x3FB3]  }
0x2f: {  	lr =	sadd.s32 s0, s3;
	s0 =	sld [smem:$0x3FAA]  }
0x30: {  	s3 =	sld [smem:$0x3FAD]  }
0x31: {  	[smem:$0x3FB6] =	sst s10  }
0x32: {  	s10 =	sld [smem:$0x3FB4];
	_ =	sdelay $0x3  }
0x33: {  	p0 =	seq.s32 s10, $0x1;
	s10 =	sld [smem:$0x3FB6];
	_ =	sdelay $0x3  }
0x34: {  	[smem:$0x3FB6] =	sst s10  }
0x35: {  	s10 =	sld [smem:$0x3FB5];
	_ =	sdelay $0x3  }
0x36: {  	p1 =	seq.s32 s10, $0x1;
	s10 =	sld [smem:$0x3FB6];
	_ =	sdelay $0x3  }
0x37: {  	[smem:$0x3FB6] =	sst s10  }
0x38: {  	s10 =	sld [smem:$0x3FB7]  }
0x39: {  	_ = 	snop;
	(pc) =	sbr.ind lr, $3  }
0x3a: {  	_ = 	snop  }
0x3b: {  	_ = 	snop  }
0x3c: {  	p2 =	seq.s32 s10, $0x1;
	s10 =	sld [smem:$0x3FB6]  }
0x3d: {  	_ =	shalt  }
0x3e: {  	_ =	shalt  }
0x3f: {  	_ =	shalt  }
0x40: {  	_ =	shalt  }
0x41: {  	_ =	shalt  }
0x42: {  	_ =	shalt  }
0x43: {  	_ =	shalt  }
0x44: {  	_ =	shalt  }
0x45: {  	_ =	shalt  }
0x46: {  	_ =	shalt  }
0x47: {  	_ =	shalt  }
0x48: {  	_ =	shalt  }
0x49: {  	_ =	shalt  }
0x4a: {  	_ =	shalt  }
0x4b: {  	_ =	shalt  }
0x4c: {  	_ =	shalt  }
0x4d: {  	_ =	shalt  }
0x4e: {  	_ =	shalt  }
0x4f: {  	_ =	shalt  }
0x50: {  	_ =	shalt  }
0x51: {  	_ =	shalt  }
0x52: {  	_ =	shalt  }
0x53: {  	_ =	shalt  }
0x54: {  	_ =	shalt  }
0x55: {  	_ =	shalt  }
0x56: {  	_ =	shalt  }
0x57: {  	_ =	shalt  }
0x58: {  	_ =	shalt  }
0x59: {  	_ =	shalt  }
0x5a: {  	_ =	shalt  }
0x5b: {  	_ =	shalt  }
0x5c: {  	_ =	shalt  }
0x5d: {  	_ =	shalt  }
0x5e: {  	_ =	shalt  }
0x5f: {  	_ =	shalt  }
0x60: {  	_ =	shalt  }
0x61: {  	_ =	shalt  }
0x62: {  	_ =	shalt  }
0x63: {  	_ =	shalt  }
0x64: {  	_ =	shalt  }
0x65: {  	_ =	shalt  }
0x66: {  	_ =	shalt  }
0x67: {  	_ =	shalt  }
0x68: {  	_ =	shalt  }
0x69: {  	_ =	shalt  }
0x6a: {  	_ =	shalt  }
0x6b: {  	_ =	shalt  }
0x6c: {  	_ =	shalt  }
0x6d: {  	_ =	shalt  }
0x6e: {  	_ =	shalt  }
0x6f: {  	_ =	shalt  }
0x70: {  	_ =	shalt  }
0x71: {  	_ =	shalt  }
0x72: {  	_ =	shalt  }
0x73: {  	_ =	shalt  }
0x74: {  	_ =	shalt  }
0x75: {  	_ =	shalt  }
0x76: {  	_ =	shalt  }
0x77: {  	_ =	shalt  }
0x78: {  	_ =	shalt  }
0x79: {  	_ =	shalt  }
0x7a: {  	_ =	shalt  }
0x7b: {  	_ =	shalt  }
0x7c: {  	_ =	shalt  }
0x7d: {  	_ =	shalt  }
0x7e: {  	_ =	shalt  }
0x7f: {  	_ =	shalt  }
0x80: {  	_ =	shalt  }
0x81: {  	_ =	shalt  }
0x82: {  	_ =	shalt  }
0x83: {  	_ =	shalt  }
0x84: {  	_ =	shalt  }
0x85: {  	_ =	shalt  }
0x86: {  	_ =	shalt  }
0x87: {  	_ =	shalt  }
.Lfunc_end0:
.L_simem_size_0:
called_computation_lowered:
.L_overlay_start_0:
0x88: {  	s2 =	sld [smem:$0x3FD9]  }
0x89: {  	s3 =	sld [smem:$0x3FFE];
	_ =	sdelay $0x1  }
0x8a: {  	s1 =	srdreg.scid  }
0x8b: {  	s0 =	sand.u32 $0x1, s1  }
0x8c: {  	s14 =	sshll.u32 s0, $0xA;
	s2 =	sadd.s32 s3, s2  }
0x8d: {  	s2 =	sadd.s32 s2, s14  }
0x8e: {  	[smem:$0x3FC2] =	sst s2  }
0x8f: {  	_ = 	snop  }
0x90: {  	s2 =	sld [smem:$0x3FD0];
	_ =	sdelay $0x2  }
0x91: {  	s15 =	simm.s32 $0xA;
	s4 =	simm.s32 $0x10  }
0x92: {  	[smem:s4], [sflag:s15] =	dma.local [hbm:s2], $0x1  }
0x93: {  	_ =	swait.eq [sflag:s15], $0x1  }
0x94: {  	[sflag:s15] =	ssyncset.done $0x0  }
0x95: {  	[sflag:s15] =	ssyncadd.s32 $0xFFFFFFFF  }
0x96: {  	s16 =	sld [smem:$0x10];
	(tm) =	ssettm $0x1  }
0x97: {  	s17 =	sld [smem:$0x3FFB];
	_ =	sdelay $0x3  }
0x98: {  	_ =	strace s17  }
0x99: {  	s3 =	sld [smem:$0x3FFC];
	_ =	sdelay $0x3  }
0x9a: {  	_ =	strace s3  }
0x9b: {  	s3 =	sld [smem:$0x3FFD];
	_ =	sdelay $0x3  }
0x9c: {  	_ =	strace s3  }
0x9d: {  	_ =	strace $0x8FFFFFFF  }
0x9e: {  	s18 =	sld [smem:$0x3FDB];
	_ =	sdelay $0x1  }
0x9f: {  	s19 =	simm.s32 $_scs_section_size  }
0xa0: {  	s5 =	simm.s32 $_size__tile_overlayer_lowered;
	s6 =	simm.s32 $_tile_overlayer_lowered  }
0xa1: {  	s22 =	simm.s32 $0x1BFF;
	s21 =	sshll.u32 s6, $0x1;
	s3 =	sadd.s32 s19, s18  }
0xa2: {  	s7 =	simm.s32 $0x0;
	s20 =	sshll.u32 s5, $0x1;
	s5 =	sadd.s32 s21, s3  }
0xa3: {  	[timem:s7], [sflag:s22] =	dma.local [hbm:s5], s20  }
0xa4: {  	_ =	swait.ge [sflag:s22], s20  }
0xa5: {  	s4 =	ssub.s32 $0x0, s20;
	[sflag:s22] =	ssyncset.done $0x0  }
0xa6: {  	[sflag:s22] =	ssyncadd.s32 s4;
	_ =	sdelay $0x1  }
0xa7: {  	s23 =	simm.s32 $0x1B8B  }
0xa8: {  	_ =	swait.ge [sflag:s23], $0x1  }
0xa9: {  	[sflag:s23] =	ssyncset.done $0x0  }
0xaa: {  	s25 =	simm.s32 $0x1B8E;
	s24 =	sld [smem:$0x3FFE];
	[sflag:s23] =	ssyncadd.s32 $0xFFFFFFFF  }
0xab: {  	s26 =	simm.s32 $execute0_lowered;
	[smem:$0x3FD2] =	sst s25  }
0xac: {  	s5 =	sshll.u32 s26, $0x1;
	_ =	strace $0x80000046;
	[dreg:$0x1] =	wrdreg $0xFFFFFFFF  }
0xad: {  	s28 =	simm.s32 $_size_execute0_lowered;
	s3 =	sadd.s32 s3, s5;
	[dreg:$0x0] =	wrdreg $0x0  }
0xae: {  	s5 =	sshll.u32 s28, $0x1;
	[dreg:$0x2] =	wrdreg s3  }
0xaf: {  	[dreg:$0x3] =	wrdreg s5  }
0xb0: {  	[dreg:$0x4] =	wrdreg $0xC0  }
0xb1: {  	_ =	task [dreg:s7], $0x5FFFF  }
0xb2: {  	[dreg:$0x1] =	wrdreg $0xFFFFFFFF  }
0xb3: {  	[dreg:$0x0] =	wrdreg $0x60  }
0xb4: {  	[dreg:$0x2] =	wrdreg s24  }
0xb5: {  	[dreg:$0x3] =	wrdreg s16  }
0xb6: {  	[dreg:$0x4] =	wrdreg $0x9  }
0xb7: {  	_ =	task.clear_ibuf [dreg:s7], $0x5FFFF;
	_ =	strace $0x90000046  }
0xb8: {  	s29 =	simm.s32 $0x9;
	_ =	strace $0x80000048  }
0xb9: {  	_ =	swait.ge [sflag:s29], $0x1  }
0xba: {  	[sflag:s29] =	ssyncadd.s32 $0xFFFFFFFF  }
0xbb: {  	_ =	strace $0x90000048  }
0xbc: {  	_ =	sfence  }
0xbd: {  	s30 =	sld [smem:$0x0];
	_ =	sdelay $0x2  }
0xbe: {  	s31 =	sshll.u32 s1, $0xD;
	s1 =	sshrl.u32 s1, $0x2  }
0xbf: {  	s3 =	sand.u32 $0x4000, s31;
	s1 =	sadd.s32 s1, s30  }
0xc0: {  	s0 =	sor.u32 s3, s0;
	s1 =	sshll.u32 s1, $0x11  }
0xc1: {  	s0 =	sor.u32 s1, s0  }
0xc2: {  	s0 =	sadd.s32 $0x8F2B, s0  }
0xc3: {  	[sflag:s0] =	ssyncadd.remote.s32 $0x1  }
0xc4: {  	_ =	sfence.sel $0xFFFF  }
0xc5: {  	[dreg:$0x0] =	wrdreg $0xFFFFFFFF;
	(pc) =	sbr.abs _section_cstart, $3  }
0xc6: {  	[dreg:$0x1] =	wrdreg $0xFFFFFFFF  }
0xc7: {  	_ =	task.clear_ibuf [dreg:s7], $0x2FFFF;
	_ =	strace $0x9FFFFFFF  }
0xc8: {  	(tm) =	ssettm $0x7FFFFFFF  }
0xc9: {  	_ =	shalt  }
tec
execute0_lowered:
.L_overlay_start_1:
0x0: {  	(tag) =	ssettag $0x1  }
0x1: {  	s1 =	stileid.u32  }
0x2: {  	p0 =	sgt.u32 s1, $0x7  }
.Ltmp0:
0x3: {  	_ = 	snop;
	(pc) =	sbr.rel @p0 .LBB2_11-.Ltmp0, $4  }
0x4: {  	s3 =	rddreg [dreg:$0x0]  }
0x5: {  	s4 =	rddreg [dreg:$0x1];
	s2 =	simm.s32 $0x0  }
0x6: {  	[smem:$0x7FF] =	sst s2  }
0x7: {  	s0 =	rddreg [dreg:$0x2];
	_ =	strace $0x80000047  }
0x8: {  	v0 =	vimm.s32 $0xEFCDAB89;
	v1 =	vimm.s32 $0x67452301  }
0x9: {  	v3 =	vimm.s32 $0x54761032;
	v4 =	vimm.s32 $0xBA98FEDC;
	v5 =	vimm.s32 $0x32107654  }
0xa: {  	v6 =	vimm.s32 $0xFEDCBA98;
	v7 =	vimm.s32 $0x76543210;
	vm0 =	vcmask $0x130C  }
0xb: {  	vm1 =	vcmask $0x33C;
	vm2 =	vcmask $0x231C;
	vm3 =	vcmask $0xB08  }
0xc: {  	vm4 =	vcmask $0x332C;
	vm9 =	vcmask $0x1714;
	vm6 =	vcmask $0x738  }
0xd: {  	vm7 =	vcmask $0x1710;
	vm12 =	vcmask $0x3734;
	vm11 =	vcmask $0x1310  }
0xe: {  	vm10 =	vcmask $0xF00;
	vm13 =	vcmask $0x300;
	vm14 =	vcmask $0x1B18  }
0xf: {  	v9 =	vimm.f32 $0.0e+00;
	v0 =	vunpack.c.l.s4.s8 v0;
	v1 =	vunpack.c.l.s4.s8 v1  }
0x10: {  	v3 =	vunpack.c.l.s4.s8 v3;
	v4 =	vunpack.c.l.s4.s8 v4;
	v5 =	vunpack.c.l.s4.s8 v5  }
0x11: {  	v6 =	vunpack.c.l.s4.s8 v6;
	v7 =	vunpack.c.l.s4.s8 v7;
	vm0 =	vmor vm1, vm0  }
0x12: {  	vm5 =	vmor vm1, vm3;
	vm1 =	vcmask $0x2718;
	vm3 =	vmor vm13, vm3  }
0x13: {  	vm13 =	vcmask $0x2F28;
	vm0 =	vmor vm0, vm2;
	vm1 =	vmor vm6, vm1  }
0x14: {  	vm6 =	vmor vm6, vm7;
	vm3 =	vmor vm3, vm11;
	v2 =	vunpack.c.0.s8.s32 v0  }
0x15: {  	v1 =	vunpack.c.0.s8.s32 v1;
	v0 =	vimm.s32 $0xDCFE98BA;
	v3 =	vunpack.c.0.s8.s32 v3  }
0x16: {  	v4 =	vunpack.c.0.s8.s32 v4;
	v5 =	vunpack.c.0.s8.s32 v5;
	v6 =	vunpack.c.0.s8.s32 v6  }
0x17: {  	v7 =	vunpack.c.0.s8.s32 v7;
	vm0 =	vmor vm0, vm4;
	vm4 =	vmor vm5, vm9  }
0x18: {  	vm5 =	vmor vm5, vm11;
	vm11 =	vmor vm3, vm14;
	vm3 =	vmor vm6, vm13  }
0x19: {  	v0 =	vunpack.c.l.s4.s8 v0;
	vm2 =	vmor vm4, vm2;
	vm4 =	vcmask $0x2B28  }
0x1a: {  	v1 =	vcombine.low v1, v2;
	vm8 =	vmor vm2, vm4;
	vm2 =	vcmask $0x2F20  }
0x1b: {  	v8 =	vunpack.c.0.s8.s32 v0;
	vm2 =	vmor vm10, vm2;
	vm10 =	vcmask $0x700  }
0x1c: {  	v0 =	vimm.f32 $-Inf;
	vm8 =	vmor vm8, vm12;
	vm7 =	vmor vm10, vm7  }
0x1d: {  	vm10 =	vmor vm5, vm14;
	vm5 =	vcmask $0x2720;
	vm14 =	vcmask $0x2320  }
0x1e: {  	v2 =	vcombine.low v3, v8;
	v3 =	vcombine.low v5, v4;
	v4 =	vand.u32 $0xF, v6  }
0x1f: {  	v5 =	vlaneseq.u32;
	vm5 =	vmor vm7, vm5;
	vm6 =	vmor vm11, vm14  }
0x20: {  	vm7 =	vcmask $0x3730;
	vm11 =	vcmask $0x3330;
	vm6 =	vmor vm6, vm4  }
0x21: {  	vm4 =	vmor vm5, vm7;
	vm5 =	vmor vm6, vm11;
	vm6 =	vcmask $0x3B38  }
0x22: {  	vm7 =	vcmask $0xF08;
	vm5 =	vmor vm5, vm6;
	vm6 =	vcmask $0x1F18  }
0x23: {  	vm11 =	vcmask $0x3F30;
	vm7 =	vmor vm7, vm6;
	vm6 =	vcmask $0x1F10  }
0x24: {  	vm6 =	vmor vm6, vm11;
	vm7 =	vmor vm7, vm13;
	vm11 =	vcmask $0x3F38  }
0x25: {  	s5 =	srdreg.scid;
	s6 =	sadd.s32 $0xC00, s3;
	s7 =	sshll.u32 s1, $0x7;
	vm13 =	vcmask $0x704;
	vm7 =	vmor vm7, vm11;
	vm11 =	vcmask $0xF0C  }
0x26: {  	s10 =	simm.s32 $0x2000;
	s11 =	simm.s32 $0x4000;
	s5 =	sand.u32 $0x1, s5;
	v6 =	vand.u32 $0xF, v1;
	v4 =	vcombine.low v4, v7;
	vm11 =	vmor vm13, vm11  }
0x27: {  	s12 =	simm.s32 $0x0;
	s8 =	sshll.u32 s5, $0xA;
	s9 =	sshll.u32 s5, $0x10;
	v7 =	vand.u32 $0xF, v2;
	vm9 =	vmor vm11, vm9;
	vm11 =	vcmask $0x1F1C  }
0x28: {  	s5 =	ssub.s32 $0x2, s5;
	s8 =	sadd.s32 s7, s8;
	s7 =	sor.u32 s7, s9;
	v8 =	vand.u32 $0xF, v3;
	vm13 =	vcmask $0x2724;
	vm9 =	vmor vm9, vm11  }
0x29: {  	s31 =	sshrl.u32 s5, $0x1;
	s8 =	sshrl.u32 s8, $0x3;
	s7 =	sshrl.u32 s7, $0x3;
	vm10 =	vmor vm10, vm13;
	vm11 =	vcmask $0x2F2C;
	vm13 =	vmor vm9, vm13  }
0x2a: {  	s9 =	ssub.s32 s5, s31;
	s8 =	sadd.s32 s8, s3;
	s3 =	sadd.s32 s4, s7;
	vm10 =	vmor vm10, vm11;
	vm9 =	vcmask $0xF30;
	vm13 =	vmor vm13, vm11  }
0x2b: {  	s5 =	sadd.s32 s6, s7;
	s6 =	smax.u32 s9, $0x1;
	s7 =	simm.s32 $0x80;
	vm10 =	vmor vm10, vm12;
	vm12 =	vmor vm13, vm12;
	vm13 =	vcmask $0x3F3C  }
0x2c: {  	s9 =	simm.s32 $0x1;
	s4 =	sadd.s32 $0x4C00, s8;
	s8 =	simm.s32 $0x400;
	vm11 =	vmmov $0xff;
	vm12 =	vmor vm12, vm13;
	vm13 =	vcmask $0x3F20  }
.LBB2_2:
0x2d: {  	s13 =	simm.s32 $0x0  }
0x2e: {  	[tilespmem:s13], [sflag:$0x1] =	stream.strided.gather [hbm4b:s5+s7], $0x2000, s8, s7, $0x38;
	[tilespmem:$0x4100] =	vst v63  }
.Ltmp1:
0x2f: {  	_ =	swait.ge [sflag:s9], $0x2000;
	(pc) =	sbr.rel .LBB2_3-.Ltmp1, $4  }
0x30: {  	[sflag:s9] =	ssyncset.done $0x0  }
0x31: {  	[sflag:s9] =	ssyncadd.s32 $0xFFFFE000  }
0x32: {  	v10 =	vimm.s32 $0x0;
	[tilespmem:$0x4080] =	vst v0  }
0x33: {  	s16 =	simm.f32 $-Inf;
	s14 =	simm.s32 $0x0;
	[tilespmem:$0x4000] =	vst v10  }
.LBB2_7:
0x34: {  	s14 =	sadd.s32 $0x1, s14  }
0x35: {  	p0 =	sne.s32 s14, $0x20  }
.Ltmp2:
0x36: {  	_ = 	snop;
	(pc) =	sbr.rel @!p0 .LBB2_8-.Ltmp2, $2  }
0x37: {  	_ =	sdelay $0x2  }
0x38: {  	s13 =	sadd.s32 $0x100, s13  }
.LBB2_3:
0x39: {  	s15 =	sshll.u32 s14, $0x8  }
0x3a: {  	v11 =	vld [tilespmem:s15+$0x0]  }
0x3b: {  	v12 =	vld [tilespmem:s15+$0x10]  }
0x3c: {  	v13 =	vld [tilespmem:s15+$0x20]  }
0x3d: {  	v14 =	vld [tilespmem:s15+$0x30]  }
0x3e: {  	v15 =	vld [tilespmem:s15+$0x40]  }
0x3f: {  	v16 =	vld [tilespmem:s15+$0x50]  }
0x40: {  	v53 =	vld [tilespmem:s15+$0x60];
	v11 =	vmax.f32 v11, v12  }
0x41: {  	v54 =	vld [tilespmem:s15+$0x70];
	v11 =	vmax.f32 v11, v13  }
0x42: {  	v55 =	vld [tilespmem:s15+$0x80];
	v11 =	vmax.f32 v11, v14  }
0x43: {  	v56 =	vld [tilespmem:s15+$0x90];
	v11 =	vmax.f32 v11, v15  }
0x44: {  	v57 =	vld [tilespmem:s15+$0xA0];
	v11 =	vmax.f32 v11, v16  }
0x45: {  	v58 =	vld [tilespmem:s15+$0xB0];
	v11 =	vmax.f32 v11, v53  }
0x46: {  	v59 =	vld [tilespmem:s15+$0xC0];
	v11 =	vmax.f32 v11, v54  }
0x47: {  	v60 =	vld [tilespmem:s15+$0xD0];
	v11 =	vmax.f32 v11, v55  }
0x48: {  	v61 =	vld [tilespmem:s15+$0xE0];
	v11 =	vmax.f32 v11, v56  }
0x49: {  	v62 =	vld [tilespmem:s15+$0xF0];
	v11 =	vmax.f32 v11, v57  }
0x4a: {  	v11 =	vmax.f32 v11, v58  }
0x4b: {  	v11 =	vmax.f32 v11, v59  }
0x4c: {  	v11 =	vmax.f32 v11, v60  }
0x4d: {  	v11 =	vmax.f32 v11, v61  }
0x4e: {  	v11 =	vmax.f32 v11, v62  }
0x4f: {  	v63 =	vperm.xlane v11, v1;
	_ =	sdelay $0x1  }
0x50: {  	v11 =	vmax.f32 v11, v63  }
0x51: {  	v12 =	vperm.xlane v11, v2;
	_ =	sdelay $0x1  }
0x52: {  	v11 =	vmax.f32 v11, v12  }
0x53: {  	v12 =	vperm.xlane v11, v3;
	_ =	sdelay $0x1  }
0x54: {  	v11 =	vmax.f32 v11, v12  }
0x55: {  	v12 =	vperm.xlane v11, v4;
	_ =	sdelay $0x1  }
0x56: {  	v11 =	vmax.f32 v11, v12  }
0x57: {  	(v2sf) =	vpush v11, $0x0;
	_ =	sdelay $0xe  }
0x58: {  	s31 =	spop (v2sf)  }
0x59: {  	p0 =	sgt.f32 s31, s16  }
.Ltmp3:
0x5a: {  	_ = 	snop;
	(pc) =	sbr.rel @!p0 .LBB2_7-.Ltmp3, $4  }
.Ltmp4:
0x5b: {  	_ = 	snop;
	(pc) =	sbr.rel @p0 .LBB2_4-.Ltmp4, $4  }
0x5c: {  	_ = 	snop  }
0x5d: {  	_ = 	snop  }
0x5e: {  	s15 =	simm.s32 $0x0  }
0x5f: {  	_ = 	snop  }
.LBB2_6:
0x60: {  	s15 =	sadd.s32 $0x10, s15  }
0x61: {  	p0 =	sne.s32 s15, $0x100  }
.Ltmp5:
0x62: {  	_ = 	snop;
	(pc) =	sbr.rel @!p0 .LBB2_7-.Ltmp5, $1  }
0x63: {  	_ =	sdelay $0x3  }
.LBB2_4:
0x64: {  	s17 =	sadd.s32 s15, s13  }
0x65: {  	s19 =	sand.u32 $0x70, s15;
	s18 =	sand.u32 $0x1F80, s17  }
0x66: {  	s18 =	sor.u32 s19, s18  }
0x67: {  	v11 =	vld [tilespmem:s18+$0x0];
	_ =	sdelay $0x4  }
0x68: {  	v12 =	vperm.xlane v11, v1;
	_ =	sdelay $0x1  }
0x69: {  	v13 =	vmax.f32 v11, v12  }
0x6a: {  	v14 =	vperm.xlane v13, v2;
	_ =	sdelay $0x1  }
0x6b: {  	v13 =	vmax.f32 v13, v14  }
0x6c: {  	v14 =	vperm.xlane v13, v3;
	_ =	sdelay $0x1  }
0x6d: {  	v13 =	vmax.f32 v13, v14  }
0x6e: {  	v14 =	vperm.xlane v13, v4;
	_ =	sdelay $0x1  }
0x6f: {  	v13 =	vmax.f32 v13, v14  }
0x70: {  	(v2sf) =	vpush v13, $0x0;
	_ =	sdelay $0xe  }
0x71: {  	s31 =	spop (v2sf)  }
0x72: {  	p0 =	sgt.f32 s31, s16  }
.Ltmp6:
0x73: {  	_ = 	snop;
	(pc) =	sbr.rel @!p0 .LBB2_6-.Ltmp6, $1  }
0x74: {  	_ =	sdelay $0x3  }
0x75: {  	v10 =	vor.u32 s17, v5  }
0x76: {  	v13 =	vperm.xlane v10, v6;
	_ =	sdelay $0x1  }
0x77: {  	vm14 =	veq.f32 v11, v12;
	vm15 =	vlt.s32 v10, v13  }
0x78: {  	vm14 =	vmand vm14, vm15;
	vm15 =	vgt.f32 v11, v12  }
0x79: {  	vm14 =	vmor vm15, vm14  }
0x7a: {  	vm14 =	vmxor vm14, vm0  }
0x7b: {  	v11 =	vsel vm14, v11, v12;
	v10 =	vsel vm14, v10, v13  }
0x7c: {  	v12 =	vperm.xlane v11, v7;
	v13 =	vperm.xlane v10, v7;
	_ =	sdelay $0x1  }
0x7d: {  	vm14 =	veq.f32 v11, v12;
	vm15 =	vlt.s32 v10, v13  }
0x7e: {  	vm14 =	vmand vm14, vm15;
	vm15 =	vgt.f32 v11, v12  }
0x7f: {  	vm14 =	vmor vm15, vm14  }
0x80: {  	vm14 =	vmxor vm14, vm1  }
0x81: {  	v11 =	vsel vm14, v11, v12;
	v10 =	vsel vm14, v10, v13  }
0x82: {  	v12 =	vperm.xlane v11, v6;
	v13 =	vperm.xlane v10, v6;
	_ =	sdelay $0x1  }
0x83: {  	vm14 =	veq.f32 v11, v12;
	vm15 =	vlt.s32 v10, v13  }
0x84: {  	vm14 =	vmand vm14, vm15;
	vm15 =	vgt.f32 v11, v12  }
0x85: {  	vm14 =	vmor vm15, vm14  }
0x86: {  	vm14 =	vmxor vm14, vm8  }
0x87: {  	v11 =	vsel vm14, v11, v12;
	v10 =	vsel vm14, v10, v13  }
0x88: {  	v12 =	vperm.xlane v11, v8;
	v13 =	vperm.xlane v10, v8;
	_ =	sdelay $0x1  }
0x89: {  	vm14 =	veq.f32 v11, v12;
	vm15 =	vlt.s32 v10, v13  }
0x8a: {  	vm14 =	vmand vm14, vm15;
	vm15 =	vgt.f32 v11, v12  }
0x8b: {  	vm14 =	vmor vm15, vm14  }
0x8c: {  	vm14 =	vmxor vm14, vm9  }
0x8d: {  	v11 =	vsel vm14, v11, v12;
	v10 =	vsel vm14, v10, v13  }
0x8e: {  	v12 =	vperm.xlane v11, v7;
	v13 =	vperm.xlane v10, v7;
	_ =	sdelay $0x1  }
0x8f: {  	vm14 =	veq.f32 v11, v12;
	vm15 =	vlt.s32 v10, v13  }
0x90: {  	vm14 =	vmand vm14, vm15;
	vm15 =	vgt.f32 v11, v12  }
0x91: {  	vm14 =	vmor vm15, vm14  }
0x92: {  	vm14 =	vmxor vm14, vm3  }
0x93: {  	v11 =	vsel vm14, v11, v12;
	v10 =	vsel vm14, v10, v13  }
0x94: {  	v12 =	vperm.xlane v11, v6;
	v13 =	vperm.xlane v10, v6;
	_ =	sdelay $0x1  }
0x95: {  	vm14 =	veq.f32 v11, v12;
	vm15 =	vlt.s32 v10, v13  }
0x96: {  	vm14 =	vmand vm14, vm15;
	vm15 =	vgt.f32 v11, v12  }
0x97: {  	vm14 =	vmor vm15, vm14  }
0x98: {  	vm14 =	vmxor vm14, vm10  }
0x99: {  	v11 =	vsel vm14, v11, v12;
	v10 =	vsel vm14, v10, v13  }
0x9a: {  	v12 =	vperm.xlane v11, v4;
	v13 =	vperm.xlane v10, v4;
	_ =	sdelay $0x1  }
0x9b: {  	vm14 =	veq.f32 v11, v12;
	vm15 =	vlt.s32 v10, v13  }
0x9c: {  	vm14 =	vmand vm14, vm15;
	vm15 =	vgt.f32 v11, v12  }
0x9d: {  	vm14 =	vmor vm15, vm14  }
0x9e: {  	vm14 =	vmxor vm14, vm11  }
0x9f: {  	v11 =	vsel vm14, v11, v12;
	v10 =	vsel vm14, v10, v13  }
0xa0: {  	v12 =	vperm.xlane v11, v8;
	v13 =	vperm.xlane v10, v8;
	_ =	sdelay $0x1  }
0xa1: {  	vm14 =	veq.f32 v11, v12;
	vm15 =	vlt.s32 v10, v13  }
0xa2: {  	vm14 =	vmand vm14, vm15;
	vm15 =	vgt.f32 v11, v12  }
0xa3: {  	vm14 =	vmor vm15, vm14  }
0xa4: {  	vm14 =	vmxor vm14, vm2  }
0xa5: {  	v11 =	vsel vm14, v11, v12;
	v10 =	vsel vm14, v10, v13  }
0xa6: {  	v12 =	vperm.xlane v11, v7;
	v13 =	vperm.xlane v10, v7;
	_ =	sdelay $0x1  }
0xa7: {  	vm14 =	veq.f32 v11, v12;
	vm15 =	vlt.s32 v10, v13  }
0xa8: {  	vm14 =	vmand vm14, vm15;
	vm15 =	vgt.f32 v11, v12  }
0xa9: {  	vm14 =	vmor vm15, vm14  }
0xaa: {  	vm14 =	vmxor vm14, vm4  }
0xab: {  	v11 =	vsel vm14, v11, v12;
	v10 =	vsel vm14, v10, v13  }
0xac: {  	v12 =	vperm.xlane v11, v6;
	v13 =	vperm.xlane v10, v6  }
0xad: {  	v14 =	vld [tilespmem:$0x4080]  }
0xae: {  	v15 =	vld [tilespmem:$0x4000];
	vm14 =	veq.f32 v11, v12;
	vm15 =	vlt.s32 v10, v13  }
0xaf: {  	vm14 =	vmand vm14, vm15;
	vm15 =	vgt.f32 v11, v12  }
0xb0: {  	vm14 =	vmor vm15, vm14  }
0xb1: {  	vm14 =	vmxor vm14, vm5  }
0xb2: {  	v11 =	vsel vm14, v11, v12;
	v10 =	vsel vm14, v10, v13  }
0xb3: {  	vm14 =	veq.f32 v14, v11;
	vm15 =	vlt.s32 v15, v10  }
0xb4: {  	vm14 =	vmand vm14, vm15;
	vm15 =	vgt.f32 v14, v11  }
0xb5: {  	vm14 =	vmor vm15, vm14  }
0xb6: {  	v11 =	vsel vm14, v14, v11;
	v10 =	vsel vm14, v15, v10  }
0xb7: {  	v62 =	vperm.xlane v11, v4;
	v63 =	vperm.xlane v10, v4;
	_ =	sdelay $0x1  }
0xb8: {  	vm14 =	veq.f32 v11, v62;
	vm15 =	vlt.s32 v10, v63  }
0xb9: {  	vm14 =	vmand vm14, vm15;
	vm15 =	vgt.f32 v11, v62  }
0xba: {  	vm14 =	vmor vm15, vm14  }
0xbb: {  	vm14 =	vmxor vm14, vm13  }
0xbc: {  	v11 =	vsel vm14, v11, v62;
	v10 =	vsel vm14, v10, v63  }
0xbd: {  	v12 =	vperm.xlane v11, v8;
	v13 =	vperm.xlane v10, v8;
	_ =	sdelay $0x1  }
0xbe: {  	vm14 =	veq.f32 v11, v12;
	vm15 =	vlt.s32 v10, v13  }
0xbf: {  	vm14 =	vmand vm14, vm15;
	vm15 =	vgt.f32 v11, v12  }
0xc0: {  	vm14 =	vmor vm15, vm14  }
0xc1: {  	vm14 =	vmxor vm14, vm6  }
0xc2: {  	v11 =	vsel vm14, v11, v12;
	v10 =	vsel vm14, v10, v13  }
0xc3: {  	v12 =	vperm.xlane v11, v7;
	v13 =	vperm.xlane v10, v7;
	_ =	sdelay $0x1  }
0xc4: {  	vm14 =	veq.f32 v11, v12;
	vm15 =	vlt.s32 v10, v13  }
0xc5: {  	vm14 =	vmand vm14, vm15;
	vm15 =	vgt.f32 v11, v12  }
0xc6: {  	vm14 =	vmor vm15, vm14  }
0xc7: {  	vm14 =	vmxor vm14, vm7  }
0xc8: {  	v11 =	vsel vm14, v11, v12;
	v10 =	vsel vm14, v10, v13  }
0xc9: {  	v12 =	vperm.xlane v11, v6;
	v13 =	vperm.xlane v10, v6;
	_ =	sdelay $0x1  }
0xca: {  	vm14 =	veq.f32 v11, v12;
	vm15 =	vlt.s32 v10, v13  }
0xcb: {  	vm14 =	vmand vm14, vm15;
	vm15 =	vgt.f32 v11, v12  }
0xcc: {  	vm14 =	vmor vm15, vm14  }
0xcd: {  	vm14 =	vmxor vm14, vm12  }
0xce: {  	v11 =	vsel vm14, v11, v12  }
0xcf: {  	(v2sf) =	vpush v11, $0x7;
	_ =	sdelay $0xa  }
.Ltmp7:
0xd0: {  	_ = 	snop;
	(pc) =	sbr.rel .LBB2_6-.Ltmp7, $3  }
0xd1: {  	_ =	sdelay $0x1  }
0xd2: {  	v10 =	vsel vm14, v10, v13;
	[tilespmem:$0x4080] =	vst v11  }
0xd3: {  	[tilespmem:$0x4000] =	vst v10;
	s16 =	spop (v2sf)  }
.LBB2_8:
0xd4: {  	v11 =	vld [tilespmem:$0x4080];
	_ =	sdelay $0x4  }
0xd5: {  	v12 =	vbroadcast v11, $0x0;
	_ =	sdelay $0x1  }
0xd6: {  	v11 =	vsub.f32 v11, v12;
	_ =	sdelay $0x1  }
0xd7: {  	v11 =	vmul.f32 $1.442695020e+00, v11;
	_ =	sdelay $0x1  }
0xd8: {  	(erf) = vpow2.f32 v11;
	_ =	sdelay $0x8  }
0xd9: {  	v11 =	vpop (erf)  }
0xda: {  	v11 =	vnsel vm11, $0x0, v11  }
0xdb: {  	v12 =	vperm.xlane v11, v1;
	_ =	sdelay $0x1  }
0xdc: {  	v12 =	vadd.f32 v11, v12;
	_ =	sdelay $0x1  }
0xdd: {  	v13 =	vperm.xlane v12, v2;
	_ =	sdelay $0x1  }
0xde: {  	v12 =	vadd.f32 v12, v13;
	_ =	sdelay $0x1  }
0xdf: {  	v13 =	vperm.xlane v12, v3;
	_ =	sdelay $0x1  }
0xe0: {  	v12 =	vadd.f32 v12, v13;
	_ =	sdelay $0x1  }
0xe1: {  	s13 =	simm.s32 $0x0;
	s14 =	simm.s32 $0x200;
	v13 =	vperm.xlane v12, v4  }
.LBB2_9:
0xe2: {  	p0 =	sne.s32 s14, $0x7E00;
	[tilespmem:s13+$0x2070] =	vst v9  }
0xe3: {  	[tilespmem:s13+$0x2000] =	vst v9  }
0xe4: {  	[tilespmem:s13+$0x2010] =	vst v9  }
.Ltmp8:
0xe5: {  	[tilespmem:s13+$0x2020] =	vst v9;
	(pc) =	sbr.rel @p0 .LBB2_9-.Ltmp8, $4  }
0xe6: {  	[tilespmem:s13+$0x2030] =	vst v9  }
0xe7: {  	[tilespmem:s13+$0x2040] =	vst v9  }
0xe8: {  	[tilespmem:s13+$0x2050] =	vst v9  }
0xe9: {  	[tilespmem:s13+$0x2060] =	vst v9;
	s13 =	sshra.s32 s14, $0x2;
	s14 =	sadd.s32 $0x200, s14  }
0xea: {  	(v2sf) =	vpush v10, $0x0;
	_ =	sdelay $0x5  }
0xeb: {  	v12 =	vadd.f32 v12, v13  }
0xec: {  	(v2sf) =	vpush v10, $0x1  }
0xed: {  	(erf) = vrcp.f32 v12  }
0xee: {  	[tilespmem:s13+$0x2070] =	vst v9  }
0xef: {  	[tilespmem:s13+$0x2000] =	vst v9  }
0xf0: {  	[tilespmem:s13+$0x2010] =	vst v9  }
0xf1: {  	[tilespmem:s13+$0x2020] =	vst v9  }
0xf2: {  	[tilespmem:s13+$0x2030] =	vst v9  }
0xf3: {  	[tilespmem:s13+$0x2040] =	vst v9;
	(v2sf) =	vpush v10, $0x2  }
0xf4: {  	[tilespmem:s13+$0x2050] =	vst v9;
	s14 =	spop (v2sf)  }
0xf5: {  	[tilespmem:s13+$0x2060] =	vst v9;
	s16 =	sand.u32 $0xFFFFFFF0, s14  }
0xf6: {  	v12 =	vpop (erf);
	v49 =	vld [tilespmem:s16+$0x2000]  }
0xf7: {  	v11 =	vmul.f32 v12, v11  }
0xf8: {  	s14 =	sand.u32 $0xF, s14  }
0xf9: {  	v14 =	vbroadcast v11, $0x0;
	v50 =	vmov s14  }
0xfa: {  	(v2sf) =	vpush v10, $0x3;
	vm14 =	veq.s32 v50, v5  }
0xfb: {  	s17 =	spop (v2sf);
	v12 =	vsel vm14, v14, v49  }
0xfc: {  	s18 =	sand.u32 $0xFFFFFFF0, s17;
	[tilespmem:s16+$0x2000] =	vst v12  }
0xfd: {  	v12 =	vld [tilespmem:s18+$0x2000];
	_ =	sdelay $0x1  }
0xfe: {  	s14 =	sand.u32 $0xF, s17  }
0xff: {  	v52 =	vbroadcast v11, $0x1;
	v51 =	vmov s14  }
0x100: {  	(v2sf) =	vpush v10, $0x4;
	vm14 =	veq.s32 v51, v5  }
0x101: {  	s19 =	spop (v2sf);
	v12 =	vsel vm14, v52, v12  }
0x102: {  	s20 =	sand.u32 $0xFFFFFFF0, s19;
	[tilespmem:s18+$0x2000] =	vst v12  }
0x103: {  	v12 =	vld [tilespmem:s20+$0x2000];
	_ =	sdelay $0x1  }
0x104: {  	s14 =	sand.u32 $0xF, s19  }
0x105: {  	v54 =	vbroadcast v11, $0x2;
	v53 =	vmov s14  }
0x106: {  	(v2sf) =	vpush v10, $0x5;
	vm14 =	veq.s32 v53, v5  }
0x107: {  	s21 =	spop (v2sf);
	v12 =	vsel vm14, v54, v12  }
0x108: {  	s22 =	sand.u32 $0xFFFFFFF0, s21;
	[tilespmem:s20+$0x2000] =	vst v12  }
0x109: {  	v12 =	vld [tilespmem:s22+$0x2000];
	_ =	sdelay $0x1  }
0x10a: {  	s14 =	sand.u32 $0xF, s21  }
0x10b: {  	v56 =	vbroadcast v11, $0x3;
	v55 =	vmov s14  }
0x10c: {  	(v2sf) =	vpush v10, $0x6;
	vm14 =	veq.s32 v55, v5  }
0x10d: {  	s23 =	spop (v2sf);
	v12 =	vsel vm14, v56, v12  }
0x10e: {  	s24 =	sand.u32 $0xFFFFFFF0, s23;
	[tilespmem:s22+$0x2000] =	vst v12  }
0x10f: {  	v12 =	vld [tilespmem:s24+$0x2000];
	_ =	sdelay $0x1  }
0x110: {  	s14 =	sand.u32 $0xF, s23  }
0x111: {  	v58 =	vbroadcast v11, $0x4;
	v57 =	vmov s14  }
0x112: {  	(v2sf) =	vpush v10, $0x7;
	vm14 =	veq.s32 v57, v5  }
0x113: {  	s25 =	spop (v2sf);
	v10 =	vsel vm14, v58, v12  }
0x114: {  	s26 =	sand.u32 $0xFFFFFFF0, s25;
	[tilespmem:s24+$0x2000] =	vst v10  }
0x115: {  	v10 =	vld [tilespmem:s26+$0x2000];
	_ =	sdelay $0x1  }
0x116: {  	s14 =	sand.u32 $0xF, s25  }
0x117: {  	v60 =	vbroadcast v11, $0x5;
	v59 =	vmov s14  }
0x118: {  	vm14 =	veq.s32 v59, v5  }
0x119: {  	s28 =	spop (v2sf);
	v10 =	vsel vm14, v60, v10  }
0x11a: {  	s29 =	sand.u32 $0xFFFFFFF0, s28;
	[tilespmem:s26+$0x2000] =	vst v10  }
0x11b: {  	v10 =	vld [tilespmem:s29+$0x2000];
	_ =	sdelay $0x1  }
0x11c: {  	s14 =	sand.u32 $0xF, s28  }
0x11d: {  	v62 =	vbroadcast v11, $0x6;
	v61 =	vmov s14  }
0x11e: {  	vm14 =	veq.s32 v61, v5  }
0x11f: {  	s30 =	spop (v2sf);
	v10 =	vsel vm14, v62, v10  }
0x120: {  	s31 =	sand.u32 $0xFFFFFFF0, s30;
	[tilespmem:s29+$0x2000] =	vst v10  }
0x121: {  	v10 =	vld [tilespmem:s31+$0x2000];
	_ =	sdelay $0x1  }
0x122: {  	s14 =	sand.u32 $0xF, s30  }
0x123: {  	v11 =	vbroadcast v11, $0x7;
	v63 =	vmov s14  }
0x124: {  	vm14 =	veq.s32 v63, v5  }
0x125: {  	v10 =	vsel vm14, v11, v10  }
0x126: {  	[tilespmem:s31+$0x2000] =	vst v10  }
0x127: {  	[hbm4b:s3+s7] =	stream.strided.scatter [tilespmem:s10], [sflag:$0x1], $0x2000, s8, s7, $0x38;
	[tilespmem:$0x4100] =	vst v63  }
0x128: {  	s12 =	sadd.s32 $0x1, s12;
	_ =	swait.ge [sflag:s9], $0x2000  }
0x129: {  	p0 =	sne.s32 s12, s6;
	[sflag:s9] =	ssyncset.done $0x0  }
.Ltmp9:
0x12a: {  	[sflag:s9] =	ssyncadd.s32 $0xFFFFE000;
	(pc) =	sbr.rel @p0 .LBB2_2-.Ltmp9, $4  }
0x12b: {  	[hbm4b:s4+s2] =	stream.linear.scatter [tilespmem:s11], [sflag:$0x1], $0x80, $0x38;
	[tilespmem:$0x4100] =	vst v63  }
0x12c: {  	_ =	swait.ge [sflag:s9], $0x80  }
0x12d: {  	[sflag:s9] =	ssyncset.done $0x0  }
0x12e: {  	[sflag:s9] =	ssyncadd.s32 $0xFFFFFF80  }
.LBB2_11:
0x12f: {  	_ =	sfence.sel $0x180000  }
0x130: {  	[bflag:$0x0] =	sbarrier.arrive $0xFFFF  }
0x131: {  	p0 =	sne.s32 s1, $0x0;
	_ =	strace $0x90000047  }
0x132: {  	s0 =	sadd.s32 @!p0 $0x100000, s0;
	[bflag:$0x2] =	sbarrier.arrive $0xFFFF  }
0x133: {  	[sflag:s0] =	ssyncadd.tile.s32 @!p0 $0x1;
	_ =	shalt  }
.Lfunc_end2:
_tile_overlayer_lowered:
.L_overlay_start_2:
0x134: {  	(tag) =	ssettag $0x2  }
0x135: {  	s0 =	rddreg [dreg:$0x0];
	s2 =	stileid.u32  }
0x136: {  	s1 =	rddreg [dreg:$0x1];
	p0 =	sne.s32 s2, $0x0  }
0x137: {  	s3 =	rddreg [dreg:$0x2];
	[bflag:$0x3] =	sbarrier.arrive $0xFFFF;
	s2 =	simm.s32 @!p0 $0x1C01  }
0x138: {  	[timem:s3], [sflag:s2] =	dma.local @!p0 [hbm:s0], s1  }
0x139: {  	s0 =	simm.s32 @!p0 $0x1  }
0x13a: {  	_ =	swait.ge @!p0 [sflag:s0], s1  }
0x13b: {  	s1 =	ssub.s32 @!p0 $0x0, s1;
	[sflag:s0] =	ssyncset.done @!p0 $0x0  }
0x13c: {  	[sflag:s0] =	ssyncadd.s32 @!p0 s1  }
0x13d: {  	[bflag:$0x3] =	sbarrier.arrive $0xFFFF  }
0x13e: {  	_ =	shalt  }

</sc_bundles>
